<compile_context>
chip_gen: v7x
topology: tpu7x:2x2x1
jax: 0.10.2.dev20260603
libtpu: 0.0.44.dev20260713+nightly
codegen_flags: <defaults>
</compile_context>

<pallas_src>
import functools

import jax
import jax.numpy as jnp
from jax import lax
from jax.experimental import pallas as pl
from jax.experimental.pallas import tpu as pltpu
from jax.experimental.pallas import tpu_sc as plsc

_NC = 2
_NS = 16
_L = 16
_NW = _NC * _NS

_N, _P, _D = 8, 4096, 3
_RSC = 512
_NCH = _NW // _N
_CHUNK = _RSC // _NCH
_IP = 4
_UQ = 2
_BP = 512
_JTC = (_P - _RSC) // _BP
_BIG = 3.0e38


def _round_to_bf16(v):
    s = v * jnp.float32(65537.0)
    return s - (s - v)


def _chamfer_partials_sc(xt, yt):
    mesh = plsc.VectorSubcoreMesh(
        core_axis_name="c", subcore_axis_name="s",
        num_cores=_NC, num_subcores=_NS)

    @functools.partial(
        pl.kernel,
        out_type=(
            jax.ShapeDtypeStruct((_NW, _CHUNK * _L), jnp.float32),
            jax.ShapeDtypeStruct((_N, _NCH, _P), jnp.float32),
        ),
        mesh=mesh,
        scratch_types=[
            pltpu.VMEM((_D * _CHUNK,), jnp.float32),
            pltpu.VMEM((_D * _P,), jnp.float32),
            pltpu.VMEM((_P,), jnp.float32),
            pltpu.VMEM((_P,), jnp.float32),
            pltpu.VMEM((_CHUNK * _L,), jnp.float32),
        ],
    )
    def body(xt_hbm, yt_hbm, rowmin_hbm, colmin_hbm, x_v, y_v, yy_v,
             col_v, rm_v):
        wid = lax.axis_index("c") * _NS + lax.axis_index("s")
        b = wid // _NCH
        ch = wid % _NCH

        for d in range(_D):
            pltpu.sync_copy(
                xt_hbm.at[b, pl.ds(d * _P + ch * _CHUNK, _CHUNK)],
                x_v.at[pl.ds(d * _CHUNK, _CHUNK)])
        pltpu.sync_copy(yt_hbm.at[b], y_v)

        def prep(q, carry):
            y0 = y_v[pl.ds(q * _L, _L)]
            y1 = y_v[pl.ds(_P + q * _L, _L)]
            y2 = y_v[pl.ds(2 * _P + q * _L, _L)]
            yy_v[pl.ds(q * _L, _L)] = y0 * y0 + y1 * y1 + y2 * y2
            y_v[pl.ds(q * _L, _L)] = _round_to_bf16(y0)
            y_v[pl.ds(_P + q * _L, _L)] = _round_to_bf16(y1)
            y_v[pl.ds(2 * _P + q * _L, _L)] = _round_to_bf16(y2)
            col_v[pl.ds(q * _L, _L)] = jnp.full((_L,), _BIG, jnp.float32)
            return carry

        lax.fori_loop(0, _P // _L, prep, 0)

        def g_body(g, carry):
            vx0 = x_v[pl.ds(g * _L, _L)]
            vx1 = x_v[pl.ds(_CHUNK + g * _L, _L)]
            vx2 = x_v[pl.ds(2 * _CHUNK + g * _L, _L)]
            vm0 = -2.0 * _round_to_bf16(vx0)
            vm1 = -2.0 * _round_to_bf16(vx1)
            vm2 = -2.0 * _round_to_bf16(vx2)
            vxx = vx0 * vx0 + vx1 * vx1 + vx2 * vx2
            for t in range(_L // _IP):
                m0 = [jnp.full((_L,), vm0[t * _IP + i]) for i in range(_IP)]
                m1 = [jnp.full((_L,), vm1[t * _IP + i]) for i in range(_IP)]
                m2 = [jnp.full((_L,), vm2[t * _IP + i]) for i in range(_IP)]
                xx = [jnp.full((_L,), vxx[t * _IP + i]) for i in range(_IP)]

                def q_body(q, rms, m0=m0, m1=m1, m2=m2, xx=xx):
                    out = list(rms)
                    for u in range(_UQ):
                        base = (q * _UQ + u) * _L
                        y0 = y_v[pl.ds(base, _L)]
                        y1 = y_v[pl.ds(_P + base, _L)]
                        y2 = y_v[pl.ds(2 * _P + base, _L)]
                        yy = yy_v[pl.ds(base, _L)]
                        ds = []
                        for i in range(_IP):
                            d = (yy + xx[i]) + (m0[i] * y0 + m1[i] * y1
                                                + m2[i] * y2)
                            out[i] = jnp.minimum(out[i], d)
                            ds.append(d)
                        while len(ds) > 1:
                            ds = [jnp.minimum(ds[k], ds[k + 1])
                                  for k in range(0, len(ds) - 1, 2)] + (
                                      [ds[-1]] if len(ds) % 2 else [])
                        col_v[pl.ds(base, _L)] = jnp.minimum(
                            col_v[pl.ds(base, _L)], ds[0])
                    return tuple(out)

                rms = lax.fori_loop(
                    0, _P // (_L * _UQ), q_body,
                    tuple(jnp.full((_L,), _BIG, jnp.float32)
                          for _ in range(_IP)))
                for i in range(_IP):
                    rm_v[pl.ds((g * _L + t * _IP + i) * _L, _L)] = rms[i]
            return carry

        lax.fori_loop(0, _CHUNK // _L, g_body, 0)

        pltpu.sync_copy(rm_v, rowmin_hbm.at[wid])
        pltpu.sync_copy(col_v, colmin_hbm.at[b, ch])

    return body(xt, yt)


def _chamfer_partials_tc(x, yt3):

    def body(x_ref, yt_ref, rs_ref, cm_ref):
        j = pl.program_id(1)
        xblk = x_ref[0]
        yt = yt_ref[0]
        xx = jnp.sum(xblk * xblk, axis=1)
        yy = jnp.sum(yt * yt, axis=0)
        ab2 = lax.dot_general(
            (xblk * -2.0).astype(jnp.bfloat16), yt.astype(jnp.bfloat16),
            (((1,), (0,)), ((), ())),
            preferred_element_type=jnp.float32)
        d = (xx[:, None] + yy[None, :]) + ab2

        @pl.when(j == 0)
        def _init():
            rs_ref[...] = jnp.zeros((1, 8, 128), jnp.float32)
            cm_ref[...] = jnp.full((1, 8, _P), _BIG, jnp.float32)

        rs_ref[0, 0, :] += jnp.full((128,), jnp.sum(jnp.min(d, axis=1)))
        cm_ref[0, 0, :] = jnp.minimum(cm_ref[0, 0, :], jnp.min(d, axis=0))

    return pl.pallas_call(
        body,
        grid=(_N, _JTC),
        in_specs=[
            pl.BlockSpec((1, _BP, _D), lambda b, j: (b, _RSC // _BP + j, 0)),
            pl.BlockSpec((1, _D, _P), lambda b, j: (b, 0, 0)),
        ],
        out_specs=[
            pl.BlockSpec((1, 8, 128), lambda b, j: (b, 0, 0)),
            pl.BlockSpec((1, 8, _P), lambda b, j: (b, 0, 0)),
        ],
        out_shape=[
            jax.ShapeDtypeStruct((_N, 8, 128), jnp.float32),
            jax.ShapeDtypeStruct((_N, 8, _P), jnp.float32),
        ],
        compiler_params=pltpu.CompilerParams(
            dimension_semantics=("arbitrary", "arbitrary")),
    )(x, yt3)


def _combine_tc(sc_rowmin, sc_colmin, tc_rowsum, tc_colmin):

    def body(srm_ref, scm_ref, trs_ref, tcm_ref, out_ref):
        srm = jnp.min(srm_ref[...], axis=-1)
        scm = jnp.min(scm_ref[...], axis=1)
        cm = jnp.minimum(scm, tcm_ref[:, 0, :])
        total = jnp.sum(srm) + jnp.sum(cm) + jnp.sum(trs_ref[:, 0, 0])
        out_ref[0, 0] = total / jnp.float32(_N * _P)

    out = pl.pallas_call(
        body,
        out_shape=jax.ShapeDtypeStruct((1, 1), jnp.float32),
        out_specs=pl.BlockSpec(memory_space=pltpu.SMEM),
    )(sc_rowmin, sc_colmin, tc_rowsum, tc_colmin)
    return out.reshape(())


def kernel(x, y):
    xt3 = jnp.transpose(x, (0, 2, 1))
    yt3 = jnp.transpose(y, (0, 2, 1))
    sc_rowmin, sc_colmin = _chamfer_partials_sc(
        xt3.reshape(_N, _D * _P), yt3.reshape(_N, _D * _P))
    tc_rowsum, tc_colmin = _chamfer_partials_tc(x, yt3)
    sc_rowmin = sc_rowmin.reshape(_NW * _CHUNK, _L)
    return _combine_tc(sc_rowmin, sc_colmin, tc_rowsum, tc_colmin)

# --- scband reference (transcript-rebuilt; emitter-appended) ---
"""Pipeline reference for scband-chamfer-loss-34505767256624 (READ-ONLY COPY).

The authoritative reference and input builder live on the scoring server;
editing this copy changes nothing except your own understanding.
"""

import jax, jax.numpy as jnp
import numpy as np


def setup_inputs(seed: int = 0) -> dict:
    key = jax.random.key(seed)
    k1, k2 = jax.random.split(key)
    x = jax.random.normal(k1, (8, 4096, 3), dtype=jnp.float32)
    y = jax.random.normal(k2, (8, 4096, 3), dtype=jnp.float32)
    return {"x": x, "y": y}


def _pairwise_sq_dists(a, b):
    # a: (N, Pa, D), b: (N, Pb, D) -> (N, Pa, Pb) squared L2 distances
    a2 = jnp.sum(a * a, axis=-1)[:, :, None]
    b2 = jnp.sum(b * b, axis=-1)[:, None, :]
    ab = jnp.einsum('npd,nqd->npq', a, b)
    return a2 + b2 - 2.0 * ab


def reference(x, y):
    # Bidirectional Chamfer distance, norm=2 (squared L2, as in pytorch3d knn_points),
    # point_reduction='mean', batch_reduction='mean', no normals, no weights,
    # homogeneous lengths (all clouds full).
    N, P1, D = x.shape
    P2 = y.shape[1]
    d = _pairwise_sq_dists(x, y)  # (N, P1, P2)
    # K=1 nearest neighbor distances in each direction (equivalent to knn_points K=1)
    cham_x = jnp.min(d, axis=2)  # (N, P1): for each x point, nearest y
    cham_y = jnp.min(d, axis=1)  # (N, P2): for each y point, nearest x
    # point_reduction='mean'
    cham_x = jnp.sum(cham_x, axis=1) / jnp.float32(P1)  # (N,)
    cham_y = jnp.sum(cham_y, axis=1) / jnp.float32(P2)  # (N,)
    # batch_reduction='mean' applied to each direction, then summed
    loss_x = jnp.sum(cham_x) / jnp.float32(N)
    loss_y = jnp.sum(cham_y) / jnp.float32(N)
    return loss_x + loss_y

if __name__ == "__main__":
    import jax
    _d = setup_inputs()
    print(jax.jit(kernel)(*tuple(_d.values())))

</pallas_src>

<mosaic_0001>
#map = affine_map<(d0, d1) -> (0, 0)>
#map1 = affine_map<(d0, d1) -> (0, 0, 0)>
module attributes {stable_mosaic.version = 14 : i64} {
  func.func @body(%arg0: i32, %arg1: i32, %arg2: memref<8x12288xf32, #tpu.memory_space<hbm>>, %arg3: memref<8x12288xf32, #tpu.memory_space<hbm>>, %arg4: memref<32x2048xf32, #tpu.memory_space<hbm>>, %arg5: memref<8x4x4096xf32, #tpu.memory_space<hbm>>, %arg6: memref<384xf32, #tpu.memory_space<vmem>>, %arg7: memref<12288xf32, #tpu.memory_space<vmem>>, %arg8: memref<4096xf32, #tpu.memory_space<vmem>>, %arg9: memref<4096xf32, #tpu.memory_space<vmem>>, %arg10: memref<2048xf32, #tpu.memory_space<vmem>>) attributes {dimension_semantics = [#tpu.dimension_semantics<core_parallel>, #tpu.dimension_semantics<subcore_parallel>], iteration_bounds = array<i64: 2, 16>, scalar_prefetch = 0 : i64, scratch_operands = 5 : i64, tpu.core_type = #tpu.core_type<sc_vector_subcore>, window_params = [{transform_indices = #map}, {transform_indices = #map}, {transform_indices = #map}, {transform_indices = #map1}]} {
    %mul3A = arith.constant 16 : i32
    %mul3A_0 = arith.muli %arg0, %mul3A : i32
    %add3A = arith.addi %mul3A_0, %arg1 : i32
    %jit3A = arith.constant 4 : i32
    %div3A = arith.divsi %add3A, %jit3A : i32
    %sign3A = arith.constant 0 : i32
    %sign3A_1 = arith.cmpi sgt, %add3A, %sign3A : i32
    %sign3A_2 = arith.extui %sign3A_1 : i1 to i32
    %sign3A_3 = arith.constant 0 : i32
    %sign3A_4 = arith.cmpi slt, %add3A, %sign3A_3 : i32
    %sign3A_5 = arith.extui %sign3A_4 : i1 to i32
    %sign3A_6 = arith.subi %sign3A_2, %sign3A_5 : i32
    %sign3A_7 = arith.constant 0 : i32
    %sign3A_8 = arith.cmpi sgt, %jit3A, %sign3A_7 : i32
    %sign3A_9 = arith.extui %sign3A_8 : i1 to i32
    %sign3A_10 = arith.constant 0 : i32
    %sign3A_11 = arith.cmpi slt, %jit3A, %sign3A_10 : i32
    %sign3A_12 = arith.extui %sign3A_11 : i1 to i32
    %sign3A_13 = arith.subi %sign3A_9, %sign3A_12 : i32
    %ne3A = arith.cmpi ne, %sign3A_6, %sign3A_13 : i32
    %rem3A = arith.remsi %add3A, %jit3A : i32
    %ne3A_14 = arith.constant 0 : i32
    %ne3A_15 = arith.cmpi ne, %rem3A, %ne3A_14 : i32
    %and3A = arith.andi %ne3A, %ne3A_15 : i1
    %sub3A = arith.constant 1 : i32
    %sub3A_16 = arith.subi %div3A, %sub3A : i32
    %select_n3A = arith.select %and3A, %sub3A_16, %div3A : i32
    %jit3A_17 = arith.constant 4 : i32
    %eq3A = arith.constant 0 : i32
    %eq3A_18 = arith.cmpi eq, %jit3A_17, %eq3A : i32
    %jit3A_19 = arith.constant 1 : i32
    %select_n3A_20 = arith.select %eq3A_18, %jit3A_19, %jit3A_17 : i32
    %rem3A_21 = arith.remsi %add3A, %select_n3A_20 : i32
    %ne3A_22 = arith.constant 0 : i32
    %ne3A_23 = arith.cmpi ne, %rem3A_21, %ne3A_22 : i32
    %lt3A = arith.constant 0 : i32
    %lt3A_24 = arith.cmpi slt, %rem3A_21, %lt3A : i32
    %lt3A_25 = arith.constant 0 : i32
    %lt3A_26 = arith.cmpi slt, %select_n3A_20, %lt3A_25 : i32
    %ne3A_27 = arith.xori %lt3A_24, %lt3A_26 : i1
    %and3A_28 = arith.andi %ne3A_27, %ne3A_23 : i1
    %add3A_29 = arith.addi %rem3A_21, %select_n3A_20 : i32
    %select_n3A_30 = arith.select %and3A_28, %add3A_29, %rem3A_21 : i32
    %mul3A_31 = arith.constant 128 : i32
    %mul3A_32 = arith.muli %select_n3A_30, %mul3A_31 : i32
    %add3A_33 = arith.constant 0 : i32
    %add3A_34 = arith.addi %add3A_33, %mul3A_32 : i32
    "tpu.region"() ({
      %run_scoped3A = tpu.sem_alloc : memref<!tpu.dma_semaphore, #tpu.memory_space<semaphore_mem>>
      %dma_start3A = arith.constant 0 : i32
      %dma_start3A_54 = tpu.memref_slice %arg6[%dma_start3A] : memref<384xf32, #tpu.memory_space<vmem>> -> memref<128xf32, #tpu.memory_space<vmem>>
      %dma_start3A_55 = tpu.memref_slice %arg2[%select_n3A, %add3A_34] : memref<8x12288xf32, #tpu.memory_space<hbm>> -> memref<1x128xf32, #tpu.memory_space<hbm>>
      %dma_start3A_56 = tpu.memref_squeeze %dma_start3A_55 : memref<1x128xf32, #tpu.memory_space<hbm>> -> memref<128xf32, #tpu.memory_space<hbm>>
      %dma_start3A_57 = arith.constant 0 : i32
      %dma_start3A_58 = tpu.memref_slice %arg6[%dma_start3A_57] : memref<384xf32, #tpu.memory_space<vmem>> -> memref<128xf32, #tpu.memory_space<vmem>>
      %dma_start3A_59 = tpu.memref_slice %arg2[%select_n3A, %add3A_34] : memref<8x12288xf32, #tpu.memory_space<hbm>> -> memref<1x128xf32, #tpu.memory_space<hbm>>
      %dma_start3A_60 = tpu.memref_squeeze %dma_start3A_59 : memref<1x128xf32, #tpu.memory_space<hbm>> -> memref<128xf32, #tpu.memory_space<hbm>>
      tpu.enqueue_dma source(%dma_start3A_60 : memref<128xf32, #tpu.memory_space<hbm>>) target(%dma_start3A_58 : memref<128xf32, #tpu.memory_space<vmem>>) target_semaphore(%run_scoped3A : memref<!tpu.dma_semaphore, #tpu.memory_space<semaphore_mem>>)
      %dma_wait3A = arith.constant 0 : i32
      %dma_wait3A_61 = tpu.memref_slice %arg6[%dma_wait3A] : memref<384xf32, #tpu.memory_space<vmem>> -> memref<128xf32, #tpu.memory_space<vmem>>
      %dma_wait3A_62 = tpu.memref_slice %arg2[%select_n3A, %add3A_34] : memref<8x12288xf32, #tpu.memory_space<hbm>> -> memref<1x128xf32, #tpu.memory_space<hbm>>
      %dma_wait3A_63 = tpu.memref_squeeze %dma_wait3A_62 : memref<1x128xf32, #tpu.memory_space<hbm>> -> memref<128xf32, #tpu.memory_space<hbm>>
      %dma_wait3A_64 = arith.constant 0 : i32
      %dma_wait3A_65 = tpu.memref_slice %arg6[%dma_wait3A_64] : memref<384xf32, #tpu.memory_space<vmem>> -> memref<128xf32, #tpu.memory_space<vmem>>
      %dma_wait3A_66 = tpu.memref_slice %arg2[%select_n3A, %add3A_34] : memref<8x12288xf32, #tpu.memory_space<hbm>> -> memref<1x128xf32, #tpu.memory_space<hbm>>
      %dma_wait3A_67 = tpu.memref_squeeze %dma_wait3A_66 : memref<1x128xf32, #tpu.memory_space<hbm>> -> memref<128xf32, #tpu.memory_space<hbm>>
      tpu.wait_dma2 semaphore(%run_scoped3A : memref<!tpu.dma_semaphore, #tpu.memory_space<semaphore_mem>>) src(%dma_wait3A_67 : memref<128xf32, #tpu.memory_space<hbm>>) dst(%dma_wait3A_65 : memref<128xf32, #tpu.memory_space<vmem>>)
      tpu.yield
    }) : () -> ()
    %mul3A_35 = arith.constant 128 : i32
    %mul3A_36 = arith.muli %select_n3A_30, %mul3A_35 : i32
    %add3A_37 = arith.constant 4096 : i32
    %add3A_38 = arith.addi %add3A_37, %mul3A_36 : i32
    "tpu.region"() ({
      %run_scoped3A = tpu.sem_alloc : memref<!tpu.dma_semaphore, #tpu.memory_space<semaphore_mem>>
      %dma_start3A = arith.constant 128 : i32
      %dma_start3A_54 = tpu.memref_slice %arg6[%dma_start3A] : memref<384xf32, #tpu.memory_space<vmem>> -> memref<128xf32, #tpu.memory_space<vmem>>
      %dma_start3A_55 = tpu.memref_slice %arg2[%select_n3A, %add3A_38] : memref<8x12288xf32, #tpu.memory_space<hbm>> -> memref<1x128xf32, #tpu.memory_space<hbm>>
      %dma_start3A_56 = tpu.memref_squeeze %dma_start3A_55 : memref<1x128xf32, #tpu.memory_space<hbm>> -> memref<128xf32, #tpu.memory_space<hbm>>
      %dma_start3A_57 = arith.constant 128 : i32
      %dma_start3A_58 = tpu.memref_slice %arg6[%dma_start3A_57] : memref<384xf32, #tpu.memory_space<vmem>> -> memref<128xf32, #tpu.memory_space<vmem>>
      %dma_start3A_59 = tpu.memref_slice %arg2[%select_n3A, %add3A_38] : memref<8x12288xf32, #tpu.memory_space<hbm>> -> memref<1x128xf32, #tpu.memory_space<hbm>>
      %dma_start3A_60 = tpu.memref_squeeze %dma_start3A_59 : memref<1x128xf32, #tpu.memory_space<hbm>> -> memref<128xf32, #tpu.memory_space<hbm>>
      tpu.enqueue_dma source(%dma_start3A_60 : memref<128xf32, #tpu.memory_space<hbm>>) target(%dma_start3A_58 : memref<128xf32, #tpu.memory_space<vmem>>) target_semaphore(%run_scoped3A : memref<!tpu.dma_semaphore, #tpu.memory_space<semaphore_mem>>)
      %dma_wait3A = arith.constant 128 : i32
      %dma_wait3A_61 = tpu.memref_slice %arg6[%dma_wait3A] : memref<384xf32, #tpu.memory_space<vmem>> -> memref<128xf32, #tpu.memory_space<vmem>>
      %dma_wait3A_62 = tpu.memref_slice %arg2[%select_n3A, %add3A_38] : memref<8x12288xf32, #tpu.memory_space<hbm>> -> memref<1x128xf32, #tpu.memory_space<hbm>>
      %dma_wait3A_63 = tpu.memref_squeeze %dma_wait3A_62 : memref<1x128xf32, #tpu.memory_space<hbm>> -> memref<128xf32, #tpu.memory_space<hbm>>
      %dma_wait3A_64 = arith.constant 128 : i32
      %dma_wait3A_65 = tpu.memref_slice %arg6[%dma_wait3A_64] : memref<384xf32, #tpu.memory_space<vmem>> -> memref<128xf32, #tpu.memory_space<vmem>>
      %dma_wait3A_66 = tpu.memref_slice %arg2[%select_n3A, %add3A_38] : memref<8x12288xf32, #tpu.memory_space<hbm>> -> memref<1x128xf32, #tpu.memory_space<hbm>>
      %dma_wait3A_67 = tpu.memref_squeeze %dma_wait3A_66 : memref<1x128xf32, #tpu.memory_space<hbm>> -> memref<128xf32, #tpu.memory_space<hbm>>
      tpu.wait_dma2 semaphore(%run_scoped3A : memref<!tpu.dma_semaphore, #tpu.memory_space<semaphore_mem>>) src(%dma_wait3A_67 : memref<128xf32, #tpu.memory_space<hbm>>) dst(%dma_wait3A_65 : memref<128xf32, #tpu.memory_space<vmem>>)
      tpu.yield
    }) : () -> ()
    %mul3A_39 = arith.constant 128 : i32
    %mul3A_40 = arith.muli %select_n3A_30, %mul3A_39 : i32
    %add3A_41 = arith.constant 8192 : i32
    %add3A_42 = arith.addi %add3A_41, %mul3A_40 : i32
    "tpu.region"() ({
      %run_scoped3A = tpu.sem_alloc : memref<!tpu.dma_semaphore, #tpu.memory_space<semaphore_mem>>
      %dma_start3A = arith.constant 256 : i32
      %dma_start3A_54 = tpu.memref_slice %arg6[%dma_start3A] : memref<384xf32, #tpu.memory_space<vmem>> -> memref<128xf32, #tpu.memory_space<vmem>>
      %dma_start3A_55 = tpu.memref_slice %arg2[%select_n3A, %add3A_42] : memref<8x12288xf32, #tpu.memory_space<hbm>> -> memref<1x128xf32, #tpu.memory_space<hbm>>
      %dma_start3A_56 = tpu.memref_squeeze %dma_start3A_55 : memref<1x128xf32, #tpu.memory_space<hbm>> -> memref<128xf32, #tpu.memory_space<hbm>>
      %dma_start3A_57 = arith.constant 256 : i32
      %dma_start3A_58 = tpu.memref_slice %arg6[%dma_start3A_57] : memref<384xf32, #tpu.memory_space<vmem>> -> memref<128xf32, #tpu.memory_space<vmem>>
      %dma_start3A_59 = tpu.memref_slice %arg2[%select_n3A, %add3A_42] : memref<8x12288xf32, #tpu.memory_space<hbm>> -> memref<1x128xf32, #tpu.memory_space<hbm>>
      %dma_start3A_60 = tpu.memref_squeeze %dma_start3A_59 : memref<1x128xf32, #tpu.memory_space<hbm>> -> memref<128xf32, #tpu.memory_space<hbm>>
      tpu.enqueue_dma source(%dma_start3A_60 : memref<128xf32, #tpu.memory_space<hbm>>) target(%dma_start3A_58 : memref<128xf32, #tpu.memory_space<vmem>>) target_semaphore(%run_scoped3A : memref<!tpu.dma_semaphore, #tpu.memory_space<semaphore_mem>>)
      %dma_wait3A = arith.constant 256 : i32
      %dma_wait3A_61 = tpu.memref_slice %arg6[%dma_wait3A] : memref<384xf32, #tpu.memory_space<vmem>> -> memref<128xf32, #tpu.memory_space<vmem>>
      %dma_wait3A_62 = tpu.memref_slice %arg2[%select_n3A, %add3A_42] : memref<8x12288xf32, #tpu.memory_space<hbm>> -> memref<1x128xf32, #tpu.memory_space<hbm>>
      %dma_wait3A_63 = tpu.memref_squeeze %dma_wait3A_62 : memref<1x128xf32, #tpu.memory_space<hbm>> -> memref<128xf32, #tpu.memory_space<hbm>>
      %dma_wait3A_64 = arith.constant 256 : i32
      %dma_wait3A_65 = tpu.memref_slice %arg6[%dma_wait3A_64] : memref<384xf32, #tpu.memory_space<vmem>> -> memref<128xf32, #tpu.memory_space<vmem>>
      %dma_wait3A_66 = tpu.memref_slice %arg2[%select_n3A, %add3A_42] : memref<8x12288xf32, #tpu.memory_space<hbm>> -> memref<1x128xf32, #tpu.memory_space<hbm>>
      %dma_wait3A_67 = tpu.memref_squeeze %dma_wait3A_66 : memref<1x128xf32, #tpu.memory_space<hbm>> -> memref<128xf32, #tpu.memory_space<hbm>>
      tpu.wait_dma2 semaphore(%run_scoped3A : memref<!tpu.dma_semaphore, #tpu.memory_space<semaphore_mem>>) src(%dma_wait3A_67 : memref<128xf32, #tpu.memory_space<hbm>>) dst(%dma_wait3A_65 : memref<128xf32, #tpu.memory_space<vmem>>)
      tpu.yield
    }) : () -> ()
    "tpu.region"() ({
      %run_scoped3A = tpu.sem_alloc : memref<!tpu.dma_semaphore, #tpu.memory_space<semaphore_mem>>
      %dma_start3A = arith.constant 0 : i32
      %dma_start3A_54 = tpu.memref_slice %arg3[%select_n3A, %dma_start3A] : memref<8x12288xf32, #tpu.memory_space<hbm>> -> memref<1x12288xf32, #tpu.memory_space<hbm>>
      %dma_start3A_55 = tpu.memref_squeeze %dma_start3A_54 : memref<1x12288xf32, #tpu.memory_space<hbm>> -> memref<12288xf32, #tpu.memory_space<hbm>>
      %dma_start3A_56 = arith.constant 0 : i32
      %dma_start3A_57 = tpu.memref_slice %arg3[%select_n3A, %dma_start3A_56] : memref<8x12288xf32, #tpu.memory_space<hbm>> -> memref<1x12288xf32, #tpu.memory_space<hbm>>
      %dma_start3A_58 = tpu.memref_squeeze %dma_start3A_57 : memref<1x12288xf32, #tpu.memory_space<hbm>> -> memref<12288xf32, #tpu.memory_space<hbm>>
      tpu.enqueue_dma source(%dma_start3A_58 : memref<12288xf32, #tpu.memory_space<hbm>>) target(%arg7 : memref<12288xf32, #tpu.memory_space<vmem>>) target_semaphore(%run_scoped3A : memref<!tpu.dma_semaphore, #tpu.memory_space<semaphore_mem>>)
      %dma_wait3A = arith.constant 0 : i32
      %dma_wait3A_59 = tpu.memref_slice %arg3[%select_n3A, %dma_wait3A] : memref<8x12288xf32, #tpu.memory_space<hbm>> -> memref<1x12288xf32, #tpu.memory_space<hbm>>
      %dma_wait3A_60 = tpu.memref_squeeze %dma_wait3A_59 : memref<1x12288xf32, #tpu.memory_space<hbm>> -> memref<12288xf32, #tpu.memory_space<hbm>>
      %dma_wait3A_61 = arith.constant 0 : i32
      %dma_wait3A_62 = tpu.memref_slice %arg3[%select_n3A, %dma_wait3A_61] : memref<8x12288xf32, #tpu.memory_space<hbm>> -> memref<1x12288xf32, #tpu.memory_space<hbm>>
      %dma_wait3A_63 = tpu.memref_squeeze %dma_wait3A_62 : memref<1x12288xf32, #tpu.memory_space<hbm>> -> memref<12288xf32, #tpu.memory_space<hbm>>
      tpu.wait_dma2 semaphore(%run_scoped3A : memref<!tpu.dma_semaphore, #tpu.memory_space<semaphore_mem>>) src(%dma_wait3A_63 : memref<12288xf32, #tpu.memory_space<hbm>>) dst(%arg7 : memref<12288xf32, #tpu.memory_space<vmem>>)
      tpu.yield
    }) : () -> ()
    %scan3A = arith.constant 0 : i32
    %scan3A_43 = arith.constant 0 : i32
    %scan3A_44 = arith.constant 256 : i32
    %scan3A_45 = arith.addi %scan3A_43, %scan3A_44 : i32
    %scan3A_46 = arith.constant 1 : i32
    scf.for %scan3A_54 = %scan3A_43 to %scan3A_45 step %scan3A_46  : i32 {
      %mul3A_55 = arith.constant 16 : i32
      %mul3A_56 = arith.muli %scan3A_54, %mul3A_55 : i32
      %get3A = arith.index_cast %mul3A_56 : i32 to index
      %get3A_57 = tpu.vector_load %arg7[%get3A] {strides = array<i32>} : memref<12288xf32, #tpu.memory_space<vmem>>, vector<16xf32>,
      %get3A_58 = vector.shape_cast %get3A_57 : vector<16xf32> to vector<16xf32>
      %mul3A_59 = arith.constant 16 : i32
      %mul3A_60 = arith.muli %scan3A_54, %mul3A_59 : i32
      %add3A_61 = arith.constant 4096 : i32
      %add3A_62 = arith.addi %add3A_61, %mul3A_60 : i32
      %get3A_63 = arith.index_cast %add3A_62 : i32 to index
      %get3A_64 = tpu.vector_load %arg7[%get3A_63] {strides = array<i32>} : memref<12288xf32, #tpu.memory_space<vmem>>, vector<16xf32>,
      %get3A_65 = vector.shape_cast %get3A_64 : vector<16xf32> to vector<16xf32>
      %mul3A_66 = arith.constant 16 : i32
      %mul3A_67 = arith.muli %scan3A_54, %mul3A_66 : i32
      %add3A_68 = arith.constant 8192 : i32
      %add3A_69 = arith.addi %add3A_68, %mul3A_67 : i32
      %get3A_70 = arith.index_cast %add3A_69 : i32 to index
      %get3A_71 = tpu.vector_load %arg7[%get3A_70] {strides = array<i32>} : memref<12288xf32, #tpu.memory_space<vmem>>, vector<16xf32>,
      %get3A_72 = vector.shape_cast %get3A_71 : vector<16xf32> to vector<16xf32>
      %mul3A_73 = arith.mulf %get3A_58, %get3A_58 : vector<16xf32>
      %mul3A_74 = arith.mulf %get3A_65, %get3A_65 : vector<16xf32>
      %add3A_75 = arith.addf %mul3A_73, %mul3A_74 : vector<16xf32>
      %mul3A_76 = arith.mulf %get3A_72, %get3A_72 : vector<16xf32>
      %add3A_77 = arith.addf %add3A_75, %mul3A_76 : vector<16xf32>
      %mul3A_78 = arith.constant 16 : i32
      %mul3A_79 = arith.muli %scan3A_54, %mul3A_78 : i32
      %swap3A = arith.index_cast %mul3A_79 : i32 to index
      %swap3A_80 = tpu.vector_load %arg8[%swap3A] {strides = array<i32>} : memref<4096xf32, #tpu.memory_space<vmem>>, vector<16xf32>,
      %swap3A_81 = vector.shape_cast %swap3A_80 : vector<16xf32> to vector<16xf32>
      %swap3A_82 = vector.shape_cast %add3A_77 : vector<16xf32> to vector<16xf32>
      tpu.vector_store %arg8[%swap3A], %swap3A_82 {strides = array<i32>} : memref<4096xf32, #tpu.memory_space<vmem>>, vector<16xf32>,
      %mul3A_83 = arith.constant 6.553700e+04 : f32
      %mul3A_84 = vector.broadcast %mul3A_83 : f32 to vector<16xf32>
      %mul3A_85 = arith.mulf %get3A_58, %mul3A_84 : vector<16xf32>
      %sub3A_86 = arith.subf %mul3A_85, %get3A_58 : vector<16xf32>
      %sub3A_87 = arith.subf %mul3A_85, %sub3A_86 : vector<16xf32>
      %mul3A_88 = arith.constant 16 : i32
      %mul3A_89 = arith.muli %scan3A_54, %mul3A_88 : i32
      %swap3A_90 = arith.index_cast %mul3A_89 : i32 to index
      %swap3A_91 = tpu.vector_load %arg7[%swap3A_90] {strides = array<i32>} : memref<12288xf32, #tpu.memory_space<vmem>>, vector<16xf32>,
      %swap3A_92 = vector.shape_cast %swap3A_91 : vector<16xf32> to vector<16xf32>
      %swap3A_93 = vector.shape_cast %sub3A_87 : vector<16xf32> to vector<16xf32>
      tpu.vector_store %arg7[%swap3A_90], %swap3A_93 {strides = array<i32>} : memref<12288xf32, #tpu.memory_space<vmem>>, vector<16xf32>,
      %mul3A_94 = arith.constant 6.553700e+04 : f32
      %mul3A_95 = vector.broadcast %mul3A_94 : f32 to vector<16xf32>
      %mul3A_96 = arith.mulf %get3A_65, %mul3A_95 : vector<16xf32>
      %sub3A_97 = arith.subf %mul3A_96, %get3A_65 : vector<16xf32>
      %sub3A_98 = arith.subf %mul3A_96, %sub3A_97 : vector<16xf32>
      %mul3A_99 = arith.constant 16 : i32
      %mul3A_100 = arith.muli %scan3A_54, %mul3A_99 : i32
      %add3A_101 = arith.constant 4096 : i32
      %add3A_102 = arith.addi %add3A_101, %mul3A_100 : i32
      %swap3A_103 = arith.index_cast %add3A_102 : i32 to index
      %swap3A_104 = tpu.vector_load %arg7[%swap3A_103] {strides = array<i32>} : memref<12288xf32, #tpu.memory_space<vmem>>, vector<16xf32>,
      %swap3A_105 = vector.shape_cast %swap3A_104 : vector<16xf32> to vector<16xf32>
      %swap3A_106 = vector.shape_cast %sub3A_98 : vector<16xf32> to vector<16xf32>
      tpu.vector_store %arg7[%swap3A_103], %swap3A_106 {strides = array<i32>} : memref<12288xf32, #tpu.memory_space<vmem>>, vector<16xf32>,
      %mul3A_107 = arith.constant 6.553700e+04 : f32
      %mul3A_108 = vector.broadcast %mul3A_107 : f32 to vector<16xf32>
      %mul3A_109 = arith.mulf %get3A_72, %mul3A_108 : vector<16xf32>
      %sub3A_110 = arith.subf %mul3A_109, %get3A_72 : vector<16xf32>
      %sub3A_111 = arith.subf %mul3A_109, %sub3A_110 : vector<16xf32>
      %mul3A_112 = arith.constant 16 : i32
      %mul3A_113 = arith.muli %scan3A_54, %mul3A_112 : i32
      %add3A_114 = arith.constant 8192 : i32
      %add3A_115 = arith.addi %add3A_114, %mul3A_113 : i32
      %swap3A_116 = arith.index_cast %add3A_115 : i32 to index
      %swap3A_117 = tpu.vector_load %arg7[%swap3A_116] {strides = array<i32>} : memref<12288xf32, #tpu.memory_space<vmem>>, vector<16xf32>,
      %swap3A_118 = vector.shape_cast %swap3A_117 : vector<16xf32> to vector<16xf32>
      %swap3A_119 = vector.shape_cast %sub3A_111 : vector<16xf32> to vector<16xf32>
      tpu.vector_store %arg7[%swap3A_116], %swap3A_119 {strides = array<i32>} : memref<12288xf32, #tpu.memory_space<vmem>>, vector<16xf32>,
      %broadcast_in_dim3A = arith.constant 3.000000e+38 : f32
      %broadcast_in_dim3A_120 = vector.broadcast %broadcast_in_dim3A : f32 to vector<16xf32>
      %mul3A_121 = arith.constant 16 : i32
      %mul3A_122 = arith.muli %scan3A_54, %mul3A_121 : i32
      %swap3A_123 = arith.index_cast %mul3A_122 : i32 to index
      %swap3A_124 = tpu.vector_load %arg9[%swap3A_123] {strides = array<i32>} : memref<4096xf32, #tpu.memory_space<vmem>>, vector<16xf32>,
      %swap3A_125 = vector.shape_cast %swap3A_124 : vector<16xf32> to vector<16xf32>
      %swap3A_126 = vector.shape_cast %broadcast_in_dim3A_120 : vector<16xf32> to vector<16xf32>
      tpu.vector_store %arg9[%swap3A_123], %swap3A_126 {strides = array<i32>} : memref<4096xf32, #tpu.memory_space<vmem>>, vector<16xf32>,
    }
    %scan3A_47 = arith.constant 256 : i32
    %scan3A_48 = arith.constant 0 : i32
    %scan3A_49 = arith.constant 0 : i32
    %scan3A_50 = arith.constant 8 : i32
    %scan3A_51 = arith.addi %scan3A_49, %scan3A_50 : i32
    %scan3A_52 = arith.constant 1 : i32
    scf.for %scan3A_54 = %scan3A_49 to %scan3A_51 step %scan3A_52  : i32 {
      %mul3A_55 = arith.constant 16 : i32
      %mul3A_56 = arith.muli %scan3A_54, %mul3A_55 : i32
      %get3A = arith.index_cast %mul3A_56 : i32 to index
      %get3A_57 = tpu.vector_load %arg6[%get3A] {strides = array<i32>} : memref<384xf32, #tpu.memory_space<vmem>>, vector<16xf32>,
      %get3A_58 = vector.shape_cast %get3A_57 : vector<16xf32> to vector<16xf32>
      %mul3A_59 = arith.constant 16 : i32
      %mul3A_60 = arith.muli %scan3A_54, %mul3A_59 : i32
      %add3A_61 = arith.constant 128 : i32
      %add3A_62 = arith.addi %add3A_61, %mul3A_60 : i32
      %get3A_63 = arith.index_cast %add3A_62 : i32 to index
      %get3A_64 = tpu.vector_load %arg6[%get3A_63] {strides = array<i32>} : memref<384xf32, #tpu.memory_space<vmem>>, vector<16xf32>,
      %get3A_65 = vector.shape_cast %get3A_64 : vector<16xf32> to vector<16xf32>
      %mul3A_66 = arith.constant 16 : i32
      %mul3A_67 = arith.muli %scan3A_54, %mul3A_66 : i32
      %add3A_68 = arith.constant 256 : i32
      %add3A_69 = arith.addi %add3A_68, %mul3A_67 : i32
      %get3A_70 = arith.index_cast %add3A_69 : i32 to index
      %get3A_71 = tpu.vector_load %arg6[%get3A_70] {strides = array<i32>} : memref<384xf32, #tpu.memory_space<vmem>>, vector<16xf32>,
      %get3A_72 = vector.shape_cast %get3A_71 : vector<16xf32> to vector<16xf32>
      %mul3A_73 = arith.constant 6.553700e+04 : f32
      %mul3A_74 = vector.broadcast %mul3A_73 : f32 to vector<16xf32>
      %mul3A_75 = arith.mulf %get3A_58, %mul3A_74 : vector<16xf32>
      %sub3A_76 = arith.subf %mul3A_75, %get3A_58 : vector<16xf32>
      %sub3A_77 = arith.subf %mul3A_75, %sub3A_76 : vector<16xf32>
      %mul3A_78 = arith.constant -2.000000e+00 : f32
      %mul3A_79 = vector.broadcast %mul3A_78 : f32 to vector<16xf32>
      %mul3A_80 = arith.mulf %mul3A_79, %sub3A_77 : vector<16xf32>
      %mul3A_81 = arith.constant 6.553700e+04 : f32
      %mul3A_82 = vector.broadcast %mul3A_81 : f32 to vector<16xf32>
      %mul3A_83 = arith.mulf %get3A_65, %mul3A_82 : vector<16xf32>
      %sub3A_84 = arith.subf %mul3A_83, %get3A_65 : vector<16xf32>
      %sub3A_85 = arith.subf %mul3A_83, %sub3A_84 : vector<16xf32>
      %mul3A_86 = arith.constant -2.000000e+00 : f32
      %mul3A_87 = vector.broadcast %mul3A_86 : f32 to vector<16xf32>
      %mul3A_88 = arith.mulf %mul3A_87, %sub3A_85 : vector<16xf32>
      %mul3A_89 = arith.constant 6.553700e+04 : f32
      %mul3A_90 = vector.broadcast %mul3A_89 : f32 to vector<16xf32>
      %mul3A_91 = arith.mulf %get3A_72, %mul3A_90 : vector<16xf32>
      %sub3A_92 = arith.subf %mul3A_91, %get3A_72 : vector<16xf32>
      %sub3A_93 = arith.subf %mul3A_91, %sub3A_92 : vector<16xf32>
      %mul3A_94 = arith.constant -2.000000e+00 : f32
      %mul3A_95 = vector.broadcast %mul3A_94 : f32 to vector<16xf32>
      %mul3A_96 = arith.mulf %mul3A_95, %sub3A_93 : vector<16xf32>
      %mul3A_97 = arith.mulf %get3A_58, %get3A_58 : vector<16xf32>
      %mul3A_98 = arith.mulf %get3A_65, %get3A_65 : vector<16xf32>
      %add3A_99 = arith.addf %mul3A_97, %mul3A_98 : vector<16xf32>
      %mul3A_100 = arith.mulf %get3A_72, %get3A_72 : vector<16xf32>
      %add3A_101 = arith.addf %add3A_99, %mul3A_100 : vector<16xf32>
      %slice3A = vector.extract_strided_slice %mul3A_80 {offsets = [0], sizes = [1], strides = [1]} : vector<16xf32> to vector<1xf32>
      %squeeze3A = vector.extract %slice3A[0] : f32 from vector<1xf32>
      %broadcast_in_dim3A = vector.broadcast %squeeze3A : f32 to vector<16xf32>
      %slice3A_102 = vector.extract_strided_slice %mul3A_80 {offsets = [1], sizes = [1], strides = [1]} : vector<16xf32> to vector<1xf32>
      %squeeze3A_103 = vector.extract %slice3A_102[0] : f32 from vector<1xf32>
      %broadcast_in_dim3A_104 = vector.broadcast %squeeze3A_103 : f32 to vector<16xf32>
      %slice3A_105 = vector.extract_strided_slice %mul3A_80 {offsets = [2], sizes = [1], strides = [1]} : vector<16xf32> to vector<1xf32>
      %squeeze3A_106 = vector.extract %slice3A_105[0] : f32 from vector<1xf32>
      %broadcast_in_dim3A_107 = vector.broadcast %squeeze3A_106 : f32 to vector<16xf32>
      %slice3A_108 = vector.extract_strided_slice %mul3A_80 {offsets = [3], sizes = [1], strides = [1]} : vector<16xf32> to vector<1xf32>
      %squeeze3A_109 = vector.extract %slice3A_108[0] : f32 from vector<1xf32>
      %broadcast_in_dim3A_110 = vector.broadcast %squeeze3A_109 : f32 to vector<16xf32>
      %slice3A_111 = vector.extract_strided_slice %mul3A_88 {offsets = [0], sizes = [1], strides = [1]} : vector<16xf32> to vector<1xf32>
      %squeeze3A_112 = vector.extract %slice3A_111[0] : f32 from vector<1xf32>
      %broadcast_in_dim3A_113 = vector.broadcast %squeeze3A_112 : f32 to vector<16xf32>
      %slice3A_114 = vector.extract_strided_slice %mul3A_88 {offsets = [1], sizes = [1], strides = [1]} : vector<16xf32> to vector<1xf32>
      %squeeze3A_115 = vector.extract %slice3A_114[0] : f32 from vector<1xf32>
      %broadcast_in_dim3A_116 = vector.broadcast %squeeze3A_115 : f32 to vector<16xf32>
      %slice3A_117 = vector.extract_strided_slice %mul3A_88 {offsets = [2], sizes = [1], strides = [1]} : vector<16xf32> to vector<1xf32>
      %squeeze3A_118 = vector.extract %slice3A_117[0] : f32 from vector<1xf32>
      %broadcast_in_dim3A_119 = vector.broadcast %squeeze3A_118 : f32 to vector<16xf32>
      %slice3A_120 = vector.extract_strided_slice %mul3A_88 {offsets = [3], sizes = [1], strides = [1]} : vector<16xf32> to vector<1xf32>
      %squeeze3A_121 = vector.extract %slice3A_120[0] : f32 from vector<1xf32>
      %broadcast_in_dim3A_122 = vector.broadcast %squeeze3A_121 : f32 to vector<16xf32>
      %slice3A_123 = vector.extract_strided_slice %mul3A_96 {offsets = [0], sizes = [1], strides = [1]} : vector<16xf32> to vector<1xf32>
      %squeeze3A_124 = vector.extract %slice3A_123[0] : f32 from vector<1xf32>
      %broadcast_in_dim3A_125 = vector.broadcast %squeeze3A_124 : f32 to vector<16xf32>
      %slice3A_126 = vector.extract_strided_slice %mul3A_96 {offsets = [1], sizes = [1], strides = [1]} : vector<16xf32> to vector<1xf32>
      %squeeze3A_127 = vector.extract %slice3A_126[0] : f32 from vector<1xf32>
      %broadcast_in_dim3A_128 = vector.broadcast %squeeze3A_127 : f32 to vector<16xf32>
      %slice3A_129 = vector.extract_strided_slice %mul3A_96 {offsets = [2], sizes = [1], strides = [1]} : vector<16xf32> to vector<1xf32>
      %squeeze3A_130 = vector.extract %slice3A_129[0] : f32 from vector<1xf32>
      %broadcast_in_dim3A_131 = vector.broadcast %squeeze3A_130 : f32 to vector<16xf32>
      %slice3A_132 = vector.extract_strided_slice %mul3A_96 {offsets = [3], sizes = [1], strides = [1]} : vector<16xf32> to vector<1xf32>
      %squeeze3A_133 = vector.extract %slice3A_132[0] : f32 from vector<1xf32>
      %broadcast_in_dim3A_134 = vector.broadcast %squeeze3A_133 : f32 to vector<16xf32>
      %slice3A_135 = vector.extract_strided_slice %add3A_101 {offsets = [0], sizes = [1], strides = [1]} : vector<16xf32> to vector<1xf32>
      %squeeze3A_136 = vector.extract %slice3A_135[0] : f32 from vector<1xf32>
      %broadcast_in_dim3A_137 = vector.broadcast %squeeze3A_136 : f32 to vector<16xf32>
      %slice3A_138 = vector.extract_strided_slice %add3A_101 {offsets = [1], sizes = [1], strides = [1]} : vector<16xf32> to vector<1xf32>
      %squeeze3A_139 = vector.extract %slice3A_138[0] : f32 from vector<1xf32>
      %broadcast_in_dim3A_140 = vector.broadcast %squeeze3A_139 : f32 to vector<16xf32>
      %slice3A_141 = vector.extract_strided_slice %add3A_101 {offsets = [2], sizes = [1], strides = [1]} : vector<16xf32> to vector<1xf32>
      %squeeze3A_142 = vector.extract %slice3A_141[0] : f32 from vector<1xf32>
      %broadcast_in_dim3A_143 = vector.broadcast %squeeze3A_142 : f32 to vector<16xf32>
      %slice3A_144 = vector.extract_strided_slice %add3A_101 {offsets = [3], sizes = [1], strides = [1]} : vector<16xf32> to vector<1xf32>
      %squeeze3A_145 = vector.extract %slice3A_144[0] : f32 from vector<1xf32>
      %broadcast_in_dim3A_146 = vector.broadcast %squeeze3A_145 : f32 to vector<16xf32>
      %broadcast_in_dim3A_147 = arith.constant 3.000000e+38 : f32
      %broadcast_in_dim3A_148 = vector.broadcast %broadcast_in_dim3A_147 : f32 to vector<16xf32>
      %broadcast_in_dim3A_149 = arith.constant 3.000000e+38 : f32
      %broadcast_in_dim3A_150 = vector.broadcast %broadcast_in_dim3A_149 : f32 to vector<16xf32>
      %broadcast_in_dim3A_151 = arith.constant 3.000000e+38 : f32
      %broadcast_in_dim3A_152 = vector.broadcast %broadcast_in_dim3A_151 : f32 to vector<16xf32>
      %broadcast_in_dim3A_153 = arith.constant 3.000000e+38 : f32
      %broadcast_in_dim3A_154 = vector.broadcast %broadcast_in_dim3A_153 : f32 to vector<16xf32>
      %scan3A_155 = arith.constant 0 : i32
      %scan3A_156 = arith.constant 128 : i32
      %scan3A_157 = arith.addi %scan3A_155, %scan3A_156 : i32
      %scan3A_158 = arith.constant 1 : i32
      %scan3A_159:4 = scf.for %scan3A_538 = %scan3A_155 to %scan3A_157 step %scan3A_158 iter_args(%scan3A_539 = %broadcast_in_dim3A_148, %scan3A_540 = %broadcast_in_dim3A_150, %scan3A_541 = %broadcast_in_dim3A_152, %scan3A_542 = %broadcast_in_dim3A_154) -> (vector<16xf32>, vector<16xf32>, vector<16xf32>, vector<16xf32>)  : i32 {
        %mul3A_543 = arith.constant 2 : i32
        %mul3A_544 = arith.muli %scan3A_538, %mul3A_543 : i32
        %add3A_545 = arith.constant 0 : i32
        %add3A_546 = arith.addi %mul3A_544, %add3A_545 : i32
        %mul3A_547 = arith.constant 16 : i32
        %mul3A_548 = arith.muli %add3A_546, %mul3A_547 : i32
        %get3A_549 = arith.index_cast %mul3A_548 : i32 to index
        %get3A_550 = tpu.vector_load %arg7[%get3A_549] {strides = array<i32>} : memref<12288xf32, #tpu.memory_space<vmem>>, vector<16xf32>,
        %get3A_551 = vector.shape_cast %get3A_550 : vector<16xf32> to vector<16xf32>
        %add3A_552 = arith.constant 4096 : i32
        %add3A_553 = arith.addi %add3A_552, %mul3A_548 : i32
        %get3A_554 = arith.index_cast %add3A_553 : i32 to index
        %get3A_555 = tpu.vector_load %arg7[%get3A_554] {strides = array<i32>} : memref<12288xf32, #tpu.memory_space<vmem>>, vector<16xf32>,
        %get3A_556 = vector.shape_cast %get3A_555 : vector<16xf32> to vector<16xf32>
        %add3A_557 = arith.constant 8192 : i32
        %add3A_558 = arith.addi %add3A_557, %mul3A_548 : i32
        %get3A_559 = arith.index_cast %add3A_558 : i32 to index
        %get3A_560 = tpu.vector_load %arg7[%get3A_559] {strides = array<i32>} : memref<12288xf32, #tpu.memory_space<vmem>>, vector<16xf32>,
        %get3A_561 = vector.shape_cast %get3A_560 : vector<16xf32> to vector<16xf32>
        %get3A_562 = arith.index_cast %mul3A_548 : i32 to index
        %get3A_563 = tpu.vector_load %arg8[%get3A_562] {strides = array<i32>} : memref<4096xf32, #tpu.memory_space<vmem>>, vector<16xf32>,
        %get3A_564 = vector.shape_cast %get3A_563 : vector<16xf32> to vector<16xf32>
        %add3A_565 = arith.addf %get3A_564, %broadcast_in_dim3A_137 : vector<16xf32>
        %mul3A_566 = arith.mulf %broadcast_in_dim3A, %get3A_551 : vector<16xf32>
        %mul3A_567 = arith.mulf %broadcast_in_dim3A_113, %get3A_556 : vector<16xf32>
        %add3A_568 = arith.addf %mul3A_566, %mul3A_567 : vector<16xf32>
        %mul3A_569 = arith.mulf %broadcast_in_dim3A_125, %get3A_561 : vector<16xf32>
        %add3A_570 = arith.addf %add3A_568, %mul3A_569 : vector<16xf32>
        %add3A_571 = arith.addf %add3A_565, %add3A_570 : vector<16xf32>
        %min3A = arith.minimumf %scan3A_539, %add3A_571 : vector<16xf32>
        %add3A_572 = arith.addf %get3A_564, %broadcast_in_dim3A_140 : vector<16xf32>
        %mul3A_573 = arith.mulf %broadcast_in_dim3A_104, %get3A_551 : vector<16xf32>
        %mul3A_574 = arith.mulf %broadcast_in_dim3A_116, %get3A_556 : vector<16xf32>
        %add3A_575 = arith.addf %mul3A_573, %mul3A_574 : vector<16xf32>
        %mul3A_576 = arith.mulf %broadcast_in_dim3A_128, %get3A_561 : vector<16xf32>
        %add3A_577 = arith.addf %add3A_575, %mul3A_576 : vector<16xf32>
        %add3A_578 = arith.addf %add3A_572, %add3A_577 : vector<16xf32>
        %min3A_579 = arith.minimumf %scan3A_540, %add3A_578 : vector<16xf32>
        %add3A_580 = arith.addf %get3A_564, %broadcast_in_dim3A_143 : vector<16xf32>
        %mul3A_581 = arith.mulf %broadcast_in_dim3A_107, %get3A_551 : vector<16xf32>
        %mul3A_582 = arith.mulf %broadcast_in_dim3A_119, %get3A_556 : vector<16xf32>
        %add3A_583 = arith.addf %mul3A_581, %mul3A_582 : vector<16xf32>
        %mul3A_584 = arith.mulf %broadcast_in_dim3A_131, %get3A_561 : vector<16xf32>
        %add3A_585 = arith.addf %add3A_583, %mul3A_584 : vector<16xf32>
        %add3A_586 = arith.addf %add3A_580, %add3A_585 : vector<16xf32>
        %min3A_587 = arith.minimumf %scan3A_541, %add3A_586 : vector<16xf32>
        %add3A_588 = arith.addf %get3A_564, %broadcast_in_dim3A_146 : vector<16xf32>
        %mul3A_589 = arith.mulf %broadcast_in_dim3A_110, %get3A_551 : vector<16xf32>
        %mul3A_590 = arith.mulf %broadcast_in_dim3A_122, %get3A_556 : vector<16xf32>
        %add3A_591 = arith.addf %mul3A_589, %mul3A_590 : vector<16xf32>
        %mul3A_592 = arith.mulf %broadcast_in_dim3A_134, %get3A_561 : vector<16xf32>
        %add3A_593 = arith.addf %add3A_591, %mul3A_592 : vector<16xf32>
        %add3A_594 = arith.addf %add3A_588, %add3A_593 : vector<16xf32>
        %min3A_595 = arith.minimumf %scan3A_542, %add3A_594 : vector<16xf32>
        %min3A_596 = arith.minimumf %add3A_571, %add3A_578 : vector<16xf32>
        %min3A_597 = arith.minimumf %add3A_586, %add3A_594 : vector<16xf32>
        %min3A_598 = arith.minimumf %min3A_596, %min3A_597 : vector<16xf32>
        %get3A_599 = arith.index_cast %mul3A_548 : i32 to index
        %get3A_600 = tpu.vector_load %arg9[%get3A_599] {strides = array<i32>} : memref<4096xf32, #tpu.memory_space<vmem>>, vector<16xf32>,
        %get3A_601 = vector.shape_cast %get3A_600 : vector<16xf32> to vector<16xf32>
        %min3A_602 = arith.minimumf %get3A_601, %min3A_598 : vector<16xf32>
        %swap3A_603 = arith.index_cast %mul3A_548 : i32 to index
        %swap3A_604 = tpu.vector_load %arg9[%swap3A_603] {strides = array<i32>} : memref<4096xf32, #tpu.memory_space<vmem>>, vector<16xf32>,
        %swap3A_605 = vector.shape_cast %swap3A_604 : vector<16xf32> to vector<16xf32>
        %swap3A_606 = vector.shape_cast %min3A_602 : vector<16xf32> to vector<16xf32>
        tpu.vector_store %arg9[%swap3A_603], %swap3A_606 {strides = array<i32>} : memref<4096xf32, #tpu.memory_space<vmem>>, vector<16xf32>,
        %mul3A_607 = arith.constant 2 : i32
        %mul3A_608 = arith.muli %scan3A_538, %mul3A_607 : i32
        %add3A_609 = arith.constant 1 : i32
        %add3A_610 = arith.addi %mul3A_608, %add3A_609 : i32
        %mul3A_611 = arith.constant 16 : i32
        %mul3A_612 = arith.muli %add3A_610, %mul3A_611 : i32
        %get3A_613 = arith.index_cast %mul3A_612 : i32 to index
        %get3A_614 = tpu.vector_load %arg7[%get3A_613] {strides = array<i32>} : memref<12288xf32, #tpu.memory_space<vmem>>, vector<16xf32>,
        %get3A_615 = vector.shape_cast %get3A_614 : vector<16xf32> to vector<16xf32>
        %add3A_616 = arith.constant 4096 : i32
        %add3A_617 = arith.addi %add3A_616, %mul3A_612 : i32
        %get3A_618 = arith.index_cast %add3A_617 : i32 to index
        %get3A_619 = tpu.vector_load %arg7[%get3A_618] {strides = array<i32>} : memref<12288xf32, #tpu.memory_space<vmem>>, vector<16xf32>,
        %get3A_620 = vector.shape_cast %get3A_619 : vector<16xf32> to vector<16xf32>
        %add3A_621 = arith.constant 8192 : i32
        %add3A_622 = arith.addi %add3A_621, %mul3A_612 : i32
        %get3A_623 = arith.index_cast %add3A_622 : i32 to index
        %get3A_624 = tpu.vector_load %arg7[%get3A_623] {strides = array<i32>} : memref<12288xf32, #tpu.memory_space<vmem>>, vector<16xf32>,
        %get3A_625 = vector.shape_cast %get3A_624 : vector<16xf32> to vector<16xf32>
        %get3A_626 = arith.index_cast %mul3A_612 : i32 to index
        %get3A_627 = tpu.vector_load %arg8[%get3A_626] {strides = array<i32>} : memref<4096xf32, #tpu.memory_space<vmem>>, vector<16xf32>,
        %get3A_628 = vector.shape_cast %get3A_627 : vector<16xf32> to vector<16xf32>
        %add3A_629 = arith.addf %get3A_628, %broadcast_in_dim3A_137 : vector<16xf32>
        %mul3A_630 = arith.mulf %broadcast_in_dim3A, %get3A_615 : vector<16xf32>
        %mul3A_631 = arith.mulf %broadcast_in_dim3A_113, %get3A_620 : vector<16xf32>
        %add3A_632 = arith.addf %mul3A_630, %mul3A_631 : vector<16xf32>
        %mul3A_633 = arith.mulf %broadcast_in_dim3A_125, %get3A_625 : vector<16xf32>
        %add3A_634 = arith.addf %add3A_632, %mul3A_633 : vector<16xf32>
        %add3A_635 = arith.addf %add3A_629, %add3A_634 : vector<16xf32>
        %min3A_636 = arith.minimumf %min3A, %add3A_635 : vector<16xf32>
        %add3A_637 = arith.addf %get3A_628, %broadcast_in_dim3A_140 : vector<16xf32>
        %mul3A_638 = arith.mulf %broadcast_in_dim3A_104, %get3A_615 : vector<16xf32>
        %mul3A_639 = arith.mulf %broadcast_in_dim3A_116, %get3A_620 : vector<16xf32>
        %add3A_640 = arith.addf %mul3A_638, %mul3A_639 : vector<16xf32>
        %mul3A_641 = arith.mulf %broadcast_in_dim3A_128, %get3A_625 : vector<16xf32>
        %add3A_642 = arith.addf %add3A_640, %mul3A_641 : vector<16xf32>
        %add3A_643 = arith.addf %add3A_637, %add3A_642 : vector<16xf32>
        %min3A_644 = arith.minimumf %min3A_579, %add3A_643 : vector<16xf32>
        %add3A_645 = arith.addf %get3A_628, %broadcast_in_dim3A_143 : vector<16xf32>
        %mul3A_646 = arith.mulf %broadcast_in_dim3A_107, %get3A_615 : vector<16xf32>
        %mul3A_647 = arith.mulf %broadcast_in_dim3A_119, %get3A_620 : vector<16xf32>
        %add3A_648 = arith.addf %mul3A_646, %mul3A_647 : vector<16xf32>
        %mul3A_649 = arith.mulf %broadcast_in_dim3A_131, %get3A_625 : vector<16xf32>
        %add3A_650 = arith.addf %add3A_648, %mul3A_649 : vector<16xf32>
        %add3A_651 = arith.addf %add3A_645, %add3A_650 : vector<16xf32>
        %min3A_652 = arith.minimumf %min3A_587, %add3A_651 : vector<16xf32>
        %add3A_653 = arith.addf %get3A_628, %broadcast_in_dim3A_146 : vector<16xf32>
        %mul3A_654 = arith.mulf %broadcast_in_dim3A_110, %get3A_615 : vector<16xf32>
        %mul3A_655 = arith.mulf %broadcast_in_dim3A_122, %get3A_620 : vector<16xf32>
        %add3A_656 = arith.addf %mul3A_654, %mul3A_655 : vector<16xf32>
        %mul3A_657 = arith.mulf %broadcast_in_dim3A_134, %get3A_625 : vector<16xf32>
        %add3A_658 = arith.addf %add3A_656, %mul3A_657 : vector<16xf32>
        %add3A_659 = arith.addf %add3A_653, %add3A_658 : vector<16xf32>
        %min3A_660 = arith.minimumf %min3A_595, %add3A_659 : vector<16xf32>
        %min3A_661 = arith.minimumf %add3A_635, %add3A_643 : vector<16xf32>
        %min3A_662 = arith.minimumf %add3A_651, %add3A_659 : vector<16xf32>
        %min3A_663 = arith.minimumf %min3A_661, %min3A_662 : vector<16xf32>
        %get3A_664 = arith.index_cast %mul3A_612 : i32 to index
        %get3A_665 = tpu.vector_load %arg9[%get3A_664] {strides = array<i32>} : memref<4096xf32, #tpu.memory_space<vmem>>, vector<16xf32>,
        %get3A_666 = vector.shape_cast %get3A_665 : vector<16xf32> to vector<16xf32>
        %min3A_667 = arith.minimumf %get3A_666, %min3A_663 : vector<16xf32>
        %swap3A_668 = arith.index_cast %mul3A_612 : i32 to index
        %swap3A_669 = tpu.vector_load %arg9[%swap3A_668] {strides = array<i32>} : memref<4096xf32, #tpu.memory_space<vmem>>, vector<16xf32>,
        %swap3A_670 = vector.shape_cast %swap3A_669 : vector<16xf32> to vector<16xf32>
        %swap3A_671 = vector.shape_cast %min3A_667 : vector<16xf32> to vector<16xf32>
        tpu.vector_store %arg9[%swap3A_668], %swap3A_671 {strides = array<i32>} : memref<4096xf32, #tpu.memory_space<vmem>>, vector<16xf32>,
        scf.yield %min3A_636, %min3A_644, %min3A_652, %min3A_660 : vector<16xf32>, vector<16xf32>, vector<16xf32>, vector<16xf32>
      }
      %scan3A_160 = arith.constant 128 : i32
      %mul3A_161 = arith.constant 16 : i32
      %mul3A_162 = arith.muli %scan3A_54, %mul3A_161 : i32
      %add3A_163 = arith.constant 0 : i32
      %add3A_164 = arith.addi %mul3A_162, %add3A_163 : i32
      %add3A_165 = arith.constant 0 : i32
      %add3A_166 = arith.addi %add3A_164, %add3A_165 : i32
      %mul3A_167 = arith.constant 16 : i32
      %mul3A_168 = arith.muli %add3A_166, %mul3A_167 : i32
      %swap3A = arith.index_cast %mul3A_168 : i32 to index
      %swap3A_169 = tpu.vector_load %arg10[%swap3A] {strides = array<i32>} : memref<2048xf32, #tpu.memory_space<vmem>>, vector<16xf32>,
      %swap3A_170 = vector.shape_cast %swap3A_169 : vector<16xf32> to vector<16xf32>
      %swap3A_171 = vector.shape_cast %scan3A_159#0 : vector<16xf32> to vector<16xf32>
      tpu.vector_store %arg10[%swap3A], %swap3A_171 {strides = array<i32>} : memref<2048xf32, #tpu.memory_space<vmem>>, vector<16xf32>,
      %mul3A_172 = arith.constant 16 : i32
      %mul3A_173 = arith.muli %scan3A_54, %mul3A_172 : i32
      %add3A_174 = arith.constant 0 : i32
      %add3A_175 = arith.addi %mul3A_173, %add3A_174 : i32
      %add3A_176 = arith.constant 1 : i32
      %add3A_177 = arith.addi %add3A_175, %add3A_176 : i32
      %mul3A_178 = arith.constant 16 : i32
      %mul3A_179 = arith.muli %add3A_177, %mul3A_178 : i32
      %swap3A_180 = arith.index_cast %mul3A_179 : i32 to index
      %swap3A_181 = tpu.vector_load %arg10[%swap3A_180] {strides = array<i32>} : memref<2048xf32, #tpu.memory_space<vmem>>, vector<16xf32>,
      %swap3A_182 = vector.shape_cast %swap3A_181 : vector<16xf32> to vector<16xf32>
      %swap3A_183 = vector.shape_cast %scan3A_159#1 : vector<16xf32> to vector<16xf32>
      tpu.vector_store %arg10[%swap3A_180], %swap3A_183 {strides = array<i32>} : memref<2048xf32, #tpu.memory_space<vmem>>, vector<16xf32>,
      %mul3A_184 = arith.constant 16 : i32
      %mul3A_185 = arith.muli %scan3A_54, %mul3A_184 : i32
      %add3A_186 = arith.constant 0 : i32
      %add3A_187 = arith.addi %mul3A_185, %add3A_186 : i32
      %add3A_188 = arith.constant 2 : i32
      %add3A_189 = arith.addi %add3A_187, %add3A_188 : i32
      %mul3A_190 = arith.constant 16 : i32
      %mul3A_191 = arith.muli %add3A_189, %mul3A_190 : i32
      %swap3A_192 = arith.index_cast %mul3A_191 : i32 to index
      %swap3A_193 = tpu.vector_load %arg10[%swap3A_192] {strides = array<i32>} : memref<2048xf32, #tpu.memory_space<vmem>>, vector<16xf32>,
      %swap3A_194 = vector.shape_cast %swap3A_193 : vector<16xf32> to vector<16xf32>
      %swap3A_195 = vector.shape_cast %scan3A_159#2 : vector<16xf32> to vector<16xf32>
      tpu.vector_store %arg10[%swap3A_192], %swap3A_195 {strides = array<i32>} : memref<2048xf32, #tpu.memory_space<vmem>>, vector<16xf32>,
      %mul3A_196 = arith.constant 16 : i32
      %mul3A_197 = arith.muli %scan3A_54, %mul3A_196 : i32
      %add3A_198 = arith.constant 0 : i32
      %add3A_199 = arith.addi %mul3A_197, %add3A_198 : i32
      %add3A_200 = arith.constant 3 : i32
      %add3A_201 = arith.addi %add3A_199, %add3A_200 : i32
      %mul3A_202 = arith.constant 16 : i32
      %mul3A_203 = arith.muli %add3A_201, %mul3A_202 : i32
      %swap3A_204 = arith.index_cast %mul3A_203 : i32 to index
      %swap3A_205 = tpu.vector_load %arg10[%swap3A_204] {strides = array<i32>} : memref<2048xf32, #tpu.memory_space<vmem>>, vector<16xf32>,
      %swap3A_206 = vector.shape_cast %swap3A_205 : vector<16xf32> to vector<16xf32>
      %swap3A_207 = vector.shape_cast %scan3A_159#3 : vector<16xf32> to vector<16xf32>
      tpu.vector_store %arg10[%swap3A_204], %swap3A_207 {strides = array<i32>} : memref<2048xf32, #tpu.memory_space<vmem>>, vector<16xf32>,
      %slice3A_208 = vector.extract_strided_slice %mul3A_80 {offsets = [4], sizes = [1], strides = [1]} : vector<16xf32> to vector<1xf32>
      %squeeze3A_209 = vector.extract %slice3A_208[0] : f32 from vector<1xf32>
      %broadcast_in_dim3A_210 = vector.broadcast %squeeze3A_209 : f32 to vector<16xf32>
      %slice3A_211 = vector.extract_strided_slice %mul3A_80 {offsets = [5], sizes = [1], strides = [1]} : vector<16xf32> to vector<1xf32>
      %squeeze3A_212 = vector.extract %slice3A_211[0] : f32 from vector<1xf32>
      %broadcast_in_dim3A_213 = vector.broadcast %squeeze3A_212 : f32 to vector<16xf32>
      %slice3A_214 = vector.extract_strided_slice %mul3A_80 {offsets = [6], sizes = [1], strides = [1]} : vector<16xf32> to vector<1xf32>
      %squeeze3A_215 = vector.extract %slice3A_214[0] : f32 from vector<1xf32>
      %broadcast_in_dim3A_216 = vector.broadcast %squeeze3A_215 : f32 to vector<16xf32>
      %slice3A_217 = vector.extract_strided_slice %mul3A_80 {offsets = [7], sizes = [1], strides = [1]} : vector<16xf32> to vector<1xf32>
      %squeeze3A_218 = vector.extract %slice3A_217[0] : f32 from vector<1xf32>
      %broadcast_in_dim3A_219 = vector.broadcast %squeeze3A_218 : f32 to vector<16xf32>
      %slice3A_220 = vector.extract_strided_slice %mul3A_88 {offsets = [4], sizes = [1], strides = [1]} : vector<16xf32> to vector<1xf32>
      %squeeze3A_221 = vector.extract %slice3A_220[0] : f32 from vector<1xf32>
      %broadcast_in_dim3A_222 = vector.broadcast %squeeze3A_221 : f32 to vector<16xf32>
      %slice3A_223 = vector.extract_strided_slice %mul3A_88 {offsets = [5], sizes = [1], strides = [1]} : vector<16xf32> to vector<1xf32>
      %squeeze3A_224 = vector.extract %slice3A_223[0] : f32 from vector<1xf32>
      %broadcast_in_dim3A_225 = vector.broadcast %squeeze3A_224 : f32 to vector<16xf32>
      %slice3A_226 = vector.extract_strided_slice %mul3A_88 {offsets = [6], sizes = [1], strides = [1]} : vector<16xf32> to vector<1xf32>
      %squeeze3A_227 = vector.extract %slice3A_226[0] : f32 from vector<1xf32>
      %broadcast_in_dim3A_228 = vector.broadcast %squeeze3A_227 : f32 to vector<16xf32>
      %slice3A_229 = vector.extract_strided_slice %mul3A_88 {offsets = [7], sizes = [1], strides = [1]} : vector<16xf32> to vector<1xf32>
      %squeeze3A_230 = vector.extract %slice3A_229[0] : f32 from vector<1xf32>
      %broadcast_in_dim3A_231 = vector.broadcast %squeeze3A_230 : f32 to vector<16xf32>
      %slice3A_232 = vector.extract_strided_slice %mul3A_96 {offsets = [4], sizes = [1], strides = [1]} : vector<16xf32> to vector<1xf32>
      %squeeze3A_233 = vector.extract %slice3A_232[0] : f32 from vector<1xf32>
      %broadcast_in_dim3A_234 = vector.broadcast %squeeze3A_233 : f32 to vector<16xf32>
      %slice3A_235 = vector.extract_strided_slice %mul3A_96 {offsets = [5], sizes = [1], strides = [1]} : vector<16xf32> to vector<1xf32>
      %squeeze3A_236 = vector.extract %slice3A_235[0] : f32 from vector<1xf32>
      %broadcast_in_dim3A_237 = vector.broadcast %squeeze3A_236 : f32 to vector<16xf32>
      %slice3A_238 = vector.extract_strided_slice %mul3A_96 {offsets = [6], sizes = [1], strides = [1]} : vector<16xf32> to vector<1xf32>
      %squeeze3A_239 = vector.extract %slice3A_238[0] : f32 from vector<1xf32>
      %broadcast_in_dim3A_240 = vector.broadcast %squeeze3A_239 : f32 to vector<16xf32>
      %slice3A_241 = vector.extract_strided_slice %mul3A_96 {offsets = [7], sizes = [1], strides = [1]} : vector<16xf32> to vector<1xf32>
      %squeeze3A_242 = vector.extract %slice3A_241[0] : f32 from vector<1xf32>
      %broadcast_in_dim3A_243 = vector.broadcast %squeeze3A_242 : f32 to vector<16xf32>
      %slice3A_244 = vector.extract_strided_slice %add3A_101 {offsets = [4], sizes = [1], strides = [1]} : vector<16xf32> to vector<1xf32>
      %squeeze3A_245 = vector.extract %slice3A_244[0] : f32 from vector<1xf32>
      %broadcast_in_dim3A_246 = vector.broadcast %squeeze3A_245 : f32 to vector<16xf32>
      %slice3A_247 = vector.extract_strided_slice %add3A_101 {offsets = [5], sizes = [1], strides = [1]} : vector<16xf32> to vector<1xf32>
      %squeeze3A_248 = vector.extract %slice3A_247[0] : f32 from vector<1xf32>
      %broadcast_in_dim3A_249 = vector.broadcast %squeeze3A_248 : f32 to vector<16xf32>
      %slice3A_250 = vector.extract_strided_slice %add3A_101 {offsets = [6], sizes = [1], strides = [1]} : vector<16xf32> to vector<1xf32>
      %squeeze3A_251 = vector.extract %slice3A_250[0] : f32 from vector<1xf32>
      %broadcast_in_dim3A_252 = vector.broadcast %squeeze3A_251 : f32 to vector<16xf32>
      %slice3A_253 = vector.extract_strided_slice %add3A_101 {offsets = [7], sizes = [1], strides = [1]} : vector<16xf32> to vector<1xf32>
      %squeeze3A_254 = vector.extract %slice3A_253[0] : f32 from vector<1xf32>
      %broadcast_in_dim3A_255 = vector.broadcast %squeeze3A_254 : f32 to vector<16xf32>
      %broadcast_in_dim3A_256 = arith.constant 3.000000e+38 : f32
      %broadcast_in_dim3A_257 = vector.broadcast %broadcast_in_dim3A_256 : f32 to vector<16xf32>
      %broadcast_in_dim3A_258 = arith.constant 3.000000e+38 : f32
      %broadcast_in_dim3A_259 = vector.broadcast %broadcast_in_dim3A_258 : f32 to vector<16xf32>
      %broadcast_in_dim3A_260 = arith.constant 3.000000e+38 : f32
      %broadcast_in_dim3A_261 = vector.broadcast %broadcast_in_dim3A_260 : f32 to vector<16xf32>
      %broadcast_in_dim3A_262 = arith.constant 3.000000e+38 : f32
      %broadcast_in_dim3A_263 = vector.broadcast %broadcast_in_dim3A_262 : f32 to vector<16xf32>
      %scan3A_264 = arith.constant 0 : i32
      %scan3A_265 = arith.constant 128 : i32
      %scan3A_266 = arith.addi %scan3A_264, %scan3A_265 : i32
      %scan3A_267 = arith.constant 1 : i32
      %scan3A_268:4 = scf.for %scan3A_538 = %scan3A_264 to %scan3A_266 step %scan3A_267 iter_args(%scan3A_539 = %broadcast_in_dim3A_257, %scan3A_540 = %broadcast_in_dim3A_259, %scan3A_541 = %broadcast_in_dim3A_261, %scan3A_542 = %broadcast_in_dim3A_263) -> (vector<16xf32>, vector<16xf32>, vector<16xf32>, vector<16xf32>)  : i32 {
        %mul3A_543 = arith.constant 2 : i32
        %mul3A_544 = arith.muli %scan3A_538, %mul3A_543 : i32
        %add3A_545 = arith.constant 0 : i32
        %add3A_546 = arith.addi %mul3A_544, %add3A_545 : i32
        %mul3A_547 = arith.constant 16 : i32
        %mul3A_548 = arith.muli %add3A_546, %mul3A_547 : i32
        %get3A_549 = arith.index_cast %mul3A_548 : i32 to index
        %get3A_550 = tpu.vector_load %arg7[%get3A_549] {strides = array<i32>} : memref<12288xf32, #tpu.memory_space<vmem>>, vector<16xf32>,
        %get3A_551 = vector.shape_cast %get3A_550 : vector<16xf32> to vector<16xf32>
        %add3A_552 = arith.constant 4096 : i32
        %add3A_553 = arith.addi %add3A_552, %mul3A_548 : i32
        %get3A_554 = arith.index_cast %add3A_553 : i32 to index
        %get3A_555 = tpu.vector_load %arg7[%get3A_554] {strides = array<i32>} : memref<12288xf32, #tpu.memory_space<vmem>>, vector<16xf32>,
        %get3A_556 = vector.shape_cast %get3A_555 : vector<16xf32> to vector<16xf32>
        %add3A_557 = arith.constant 8192 : i32
        %add3A_558 = arith.addi %add3A_557, %mul3A_548 : i32
        %get3A_559 = arith.index_cast %add3A_558 : i32 to index
        %get3A_560 = tpu.vector_load %arg7[%get3A_559] {strides = array<i32>} : memref<12288xf32, #tpu.memory_space<vmem>>, vector<16xf32>,
        %get3A_561 = vector.shape_cast %get3A_560 : vector<16xf32> to vector<16xf32>
        %get3A_562 = arith.index_cast %mul3A_548 : i32 to index
        %get3A_563 = tpu.vector_load %arg8[%get3A_562] {strides = array<i32>} : memref<4096xf32, #tpu.memory_space<vmem>>, vector<16xf32>,
        %get3A_564 = vector.shape_cast %get3A_563 : vector<16xf32> to vector<16xf32>
        %add3A_565 = arith.addf %get3A_564, %broadcast_in_dim3A_246 : vector<16xf32>
        %mul3A_566 = arith.mulf %broadcast_in_dim3A_210, %get3A_551 : vector<16xf32>
        %mul3A_567 = arith.mulf %broadcast_in_dim3A_222, %get3A_556 : vector<16xf32>
        %add3A_568 = arith.addf %mul3A_566, %mul3A_567 : vector<16xf32>
        %mul3A_569 = arith.mulf %broadcast_in_dim3A_234, %get3A_561 : vector<16xf32>
        %add3A_570 = arith.addf %add3A_568, %mul3A_569 : vector<16xf32>
        %add3A_571 = arith.addf %add3A_565, %add3A_570 : vector<16xf32>
        %min3A = arith.minimumf %scan3A_539, %add3A_571 : vector<16xf32>
        %add3A_572 = arith.addf %get3A_564, %broadcast_in_dim3A_249 : vector<16xf32>
        %mul3A_573 = arith.mulf %broadcast_in_dim3A_213, %get3A_551 : vector<16xf32>
        %mul3A_574 = arith.mulf %broadcast_in_dim3A_225, %get3A_556 : vector<16xf32>
        %add3A_575 = arith.addf %mul3A_573, %mul3A_574 : vector<16xf32>
        %mul3A_576 = arith.mulf %broadcast_in_dim3A_237, %get3A_561 : vector<16xf32>
        %add3A_577 = arith.addf %add3A_575, %mul3A_576 : vector<16xf32>
        %add3A_578 = arith.addf %add3A_572, %add3A_577 : vector<16xf32>
        %min3A_579 = arith.minimumf %scan3A_540, %add3A_578 : vector<16xf32>
        %add3A_580 = arith.addf %get3A_564, %broadcast_in_dim3A_252 : vector<16xf32>
        %mul3A_581 = arith.mulf %broadcast_in_dim3A_216, %get3A_551 : vector<16xf32>
        %mul3A_582 = arith.mulf %broadcast_in_dim3A_228, %get3A_556 : vector<16xf32>
        %add3A_583 = arith.addf %mul3A_581, %mul3A_582 : vector<16xf32>
        %mul3A_584 = arith.mulf %broadcast_in_dim3A_240, %get3A_561 : vector<16xf32>
        %add3A_585 = arith.addf %add3A_583, %mul3A_584 : vector<16xf32>
        %add3A_586 = arith.addf %add3A_580, %add3A_585 : vector<16xf32>
        %min3A_587 = arith.minimumf %scan3A_541, %add3A_586 : vector<16xf32>
        %add3A_588 = arith.addf %get3A_564, %broadcast_in_dim3A_255 : vector<16xf32>
        %mul3A_589 = arith.mulf %broadcast_in_dim3A_219, %get3A_551 : vector<16xf32>
        %mul3A_590 = arith.mulf %broadcast_in_dim3A_231, %get3A_556 : vector<16xf32>
        %add3A_591 = arith.addf %mul3A_589, %mul3A_590 : vector<16xf32>
        %mul3A_592 = arith.mulf %broadcast_in_dim3A_243, %get3A_561 : vector<16xf32>
        %add3A_593 = arith.addf %add3A_591, %mul3A_592 : vector<16xf32>
        %add3A_594 = arith.addf %add3A_588, %add3A_593 : vector<16xf32>
        %min3A_595 = arith.minimumf %scan3A_542, %add3A_594 : vector<16xf32>
        %min3A_596 = arith.minimumf %add3A_571, %add3A_578 : vector<16xf32>
        %min3A_597 = arith.minimumf %add3A_586, %add3A_594 : vector<16xf32>
        %min3A_598 = arith.minimumf %min3A_596, %min3A_597 : vector<16xf32>
        %get3A_599 = arith.index_cast %mul3A_548 : i32 to index
        %get3A_600 = tpu.vector_load %arg9[%get3A_599] {strides = array<i32>} : memref<4096xf32, #tpu.memory_space<vmem>>, vector<16xf32>,
        %get3A_601 = vector.shape_cast %get3A_600 : vector<16xf32> to vector<16xf32>
        %min3A_602 = arith.minimumf %get3A_601, %min3A_598 : vector<16xf32>
        %swap3A_603 = arith.index_cast %mul3A_548 : i32 to index
        %swap3A_604 = tpu.vector_load %arg9[%swap3A_603] {strides = array<i32>} : memref<4096xf32, #tpu.memory_space<vmem>>, vector<16xf32>,
        %swap3A_605 = vector.shape_cast %swap3A_604 : vector<16xf32> to vector<16xf32>
        %swap3A_606 = vector.shape_cast %min3A_602 : vector<16xf32> to vector<16xf32>
        tpu.vector_store %arg9[%swap3A_603], %swap3A_606 {strides = array<i32>} : memref<4096xf32, #tpu.memory_space<vmem>>, vector<16xf32>,
        %mul3A_607 = arith.constant 2 : i32
        %mul3A_608 = arith.muli %scan3A_538, %mul3A_607 : i32
        %add3A_609 = arith.constant 1 : i32
        %add3A_610 = arith.addi %mul3A_608, %add3A_609 : i32
        %mul3A_611 = arith.constant 16 : i32
        %mul3A_612 = arith.muli %add3A_610, %mul3A_611 : i32
        %get3A_613 = arith.index_cast %mul3A_612 : i32 to index
        %get3A_614 = tpu.vector_load %arg7[%get3A_613] {strides = array<i32>} : memref<12288xf32, #tpu.memory_space<vmem>>, vector<16xf32>,
        %get3A_615 = vector.shape_cast %get3A_614 : vector<16xf32> to vector<16xf32>
        %add3A_616 = arith.constant 4096 : i32
        %add3A_617 = arith.addi %add3A_616, %mul3A_612 : i32
        %get3A_618 = arith.index_cast %add3A_617 : i32 to index
        %get3A_619 = tpu.vector_load %arg7[%get3A_618] {strides = array<i32>} : memref<12288xf32, #tpu.memory_space<vmem>>, vector<16xf32>,
        %get3A_620 = vector.shape_cast %get3A_619 : vector<16xf32> to vector<16xf32>
        %add3A_621 = arith.constant 8192 : i32
        %add3A_622 = arith.addi %add3A_621, %mul3A_612 : i32
        %get3A_623 = arith.index_cast %add3A_622 : i32 to index
        %get3A_624 = tpu.vector_load %arg7[%get3A_623] {strides = array<i32>} : memref<12288xf32, #tpu.memory_space<vmem>>, vector<16xf32>,
        %get3A_625 = vector.shape_cast %get3A_624 : vector<16xf32> to vector<16xf32>
        %get3A_626 = arith.index_cast %mul3A_612 : i32 to index
        %get3A_627 = tpu.vector_load %arg8[%get3A_626] {strides = array<i32>} : memref<4096xf32, #tpu.memory_space<vmem>>, vector<16xf32>,
        %get3A_628 = vector.shape_cast %get3A_627 : vector<16xf32> to vector<16xf32>
        %add3A_629 = arith.addf %get3A_628, %broadcast_in_dim3A_246 : vector<16xf32>
        %mul3A_630 = arith.mulf %broadcast_in_dim3A_210, %get3A_615 : vector<16xf32>
        %mul3A_631 = arith.mulf %broadcast_in_dim3A_222, %get3A_620 : vector<16xf32>
        %add3A_632 = arith.addf %mul3A_630, %mul3A_631 : vector<16xf32>
        %mul3A_633 = arith.mulf %broadcast_in_dim3A_234, %get3A_625 : vector<16xf32>
        %add3A_634 = arith.addf %add3A_632, %mul3A_633 : vector<16xf32>
        %add3A_635 = arith.addf %add3A_629, %add3A_634 : vector<16xf32>
        %min3A_636 = arith.minimumf %min3A, %add3A_635 : vector<16xf32>
        %add3A_637 = arith.addf %get3A_628, %broadcast_in_dim3A_249 : vector<16xf32>
        %mul3A_638 = arith.mulf %broadcast_in_dim3A_213, %get3A_615 : vector<16xf32>
        %mul3A_639 = arith.mulf %broadcast_in_dim3A_225, %get3A_620 : vector<16xf32>
        %add3A_640 = arith.addf %mul3A_638, %mul3A_639 : vector<16xf32>
        %mul3A_641 = arith.mulf %broadcast_in_dim3A_237, %get3A_625 : vector<16xf32>
        %add3A_642 = arith.addf %add3A_640, %mul3A_641 : vector<16xf32>
        %add3A_643 = arith.addf %add3A_637, %add3A_642 : vector<16xf32>
        %min3A_644 = arith.minimumf %min3A_579, %add3A_643 : vector<16xf32>
        %add3A_645 = arith.addf %get3A_628, %broadcast_in_dim3A_252 : vector<16xf32>
        %mul3A_646 = arith.mulf %broadcast_in_dim3A_216, %get3A_615 : vector<16xf32>
        %mul3A_647 = arith.mulf %broadcast_in_dim3A_228, %get3A_620 : vector<16xf32>
        %add3A_648 = arith.addf %mul3A_646, %mul3A_647 : vector<16xf32>
        %mul3A_649 = arith.mulf %broadcast_in_dim3A_240, %get3A_625 : vector<16xf32>
        %add3A_650 = arith.addf %add3A_648, %mul3A_649 : vector<16xf32>
        %add3A_651 = arith.addf %add3A_645, %add3A_650 : vector<16xf32>
        %min3A_652 = arith.minimumf %min3A_587, %add3A_651 : vector<16xf32>
        %add3A_653 = arith.addf %get3A_628, %broadcast_in_dim3A_255 : vector<16xf32>
        %mul3A_654 = arith.mulf %broadcast_in_dim3A_219, %get3A_615 : vector<16xf32>
        %mul3A_655 = arith.mulf %broadcast_in_dim3A_231, %get3A_620 : vector<16xf32>
        %add3A_656 = arith.addf %mul3A_654, %mul3A_655 : vector<16xf32>
        %mul3A_657 = arith.mulf %broadcast_in_dim3A_243, %get3A_625 : vector<16xf32>
        %add3A_658 = arith.addf %add3A_656, %mul3A_657 : vector<16xf32>
        %add3A_659 = arith.addf %add3A_653, %add3A_658 : vector<16xf32>
        %min3A_660 = arith.minimumf %min3A_595, %add3A_659 : vector<16xf32>
        %min3A_661 = arith.minimumf %add3A_635, %add3A_643 : vector<16xf32>
        %min3A_662 = arith.minimumf %add3A_651, %add3A_659 : vector<16xf32>
        %min3A_663 = arith.minimumf %min3A_661, %min3A_662 : vector<16xf32>
        %get3A_664 = arith.index_cast %mul3A_612 : i32 to index
        %get3A_665 = tpu.vector_load %arg9[%get3A_664] {strides = array<i32>} : memref<4096xf32, #tpu.memory_space<vmem>>, vector<16xf32>,
        %get3A_666 = vector.shape_cast %get3A_665 : vector<16xf32> to vector<16xf32>
        %min3A_667 = arith.minimumf %get3A_666, %min3A_663 : vector<16xf32>
        %swap3A_668 = arith.index_cast %mul3A_612 : i32 to index
        %swap3A_669 = tpu.vector_load %arg9[%swap3A_668] {strides = array<i32>} : memref<4096xf32, #tpu.memory_space<vmem>>, vector<16xf32>,
        %swap3A_670 = vector.shape_cast %swap3A_669 : vector<16xf32> to vector<16xf32>
        %swap3A_671 = vector.shape_cast %min3A_667 : vector<16xf32> to vector<16xf32>
        tpu.vector_store %arg9[%swap3A_668], %swap3A_671 {strides = array<i32>} : memref<4096xf32, #tpu.memory_space<vmem>>, vector<16xf32>,
        scf.yield %min3A_636, %min3A_644, %min3A_652, %min3A_660 : vector<16xf32>, vector<16xf32>, vector<16xf32>, vector<16xf32>
      }
      %scan3A_269 = arith.constant 128 : i32
      %mul3A_270 = arith.constant 16 : i32
      %mul3A_271 = arith.muli %scan3A_54, %mul3A_270 : i32
      %add3A_272 = arith.constant 4 : i32
      %add3A_273 = arith.addi %mul3A_271, %add3A_272 : i32
      %add3A_274 = arith.constant 0 : i32
      %add3A_275 = arith.addi %add3A_273, %add3A_274 : i32
      %mul3A_276 = arith.constant 16 : i32
      %mul3A_277 = arith.muli %add3A_275, %mul3A_276 : i32
      %swap3A_278 = arith.index_cast %mul3A_277 : i32 to index
      %swap3A_279 = tpu.vector_load %arg10[%swap3A_278] {strides = array<i32>} : memref<2048xf32, #tpu.memory_space<vmem>>, vector<16xf32>,
      %swap3A_280 = vector.shape_cast %swap3A_279 : vector<16xf32> to vector<16xf32>
      %swap3A_281 = vector.shape_cast %scan3A_268#0 : vector<16xf32> to vector<16xf32>
      tpu.vector_store %arg10[%swap3A_278], %swap3A_281 {strides = array<i32>} : memref<2048xf32, #tpu.memory_space<vmem>>, vector<16xf32>,
      %mul3A_282 = arith.constant 16 : i32
      %mul3A_283 = arith.muli %scan3A_54, %mul3A_282 : i32
      %add3A_284 = arith.constant 4 : i32
      %add3A_285 = arith.addi %mul3A_283, %add3A_284 : i32
      %add3A_286 = arith.constant 1 : i32
      %add3A_287 = arith.addi %add3A_285, %add3A_286 : i32
      %mul3A_288 = arith.constant 16 : i32
      %mul3A_289 = arith.muli %add3A_287, %mul3A_288 : i32
      %swap3A_290 = arith.index_cast %mul3A_289 : i32 to index
      %swap3A_291 = tpu.vector_load %arg10[%swap3A_290] {strides = array<i32>} : memref<2048xf32, #tpu.memory_space<vmem>>, vector<16xf32>,
      %swap3A_292 = vector.shape_cast %swap3A_291 : vector<16xf32> to vector<16xf32>
      %swap3A_293 = vector.shape_cast %scan3A_268#1 : vector<16xf32> to vector<16xf32>
      tpu.vector_store %arg10[%swap3A_290], %swap3A_293 {strides = array<i32>} : memref<2048xf32, #tpu.memory_space<vmem>>, vector<16xf32>,
      %mul3A_294 = arith.constant 16 : i32
      %mul3A_295 = arith.muli %scan3A_54, %mul3A_294 : i32
      %add3A_296 = arith.constant 4 : i32
      %add3A_297 = arith.addi %mul3A_295, %add3A_296 : i32
      %add3A_298 = arith.constant 2 : i32
      %add3A_299 = arith.addi %add3A_297, %add3A_298 : i32
      %mul3A_300 = arith.constant 16 : i32
      %mul3A_301 = arith.muli %add3A_299, %mul3A_300 : i32
      %swap3A_302 = arith.index_cast %mul3A_301 : i32 to index
      %swap3A_303 = tpu.vector_load %arg10[%swap3A_302] {strides = array<i32>} : memref<2048xf32, #tpu.memory_space<vmem>>, vector<16xf32>,
      %swap3A_304 = vector.shape_cast %swap3A_303 : vector<16xf32> to vector<16xf32>
      %swap3A_305 = vector.shape_cast %scan3A_268#2 : vector<16xf32> to vector<16xf32>
      tpu.vector_store %arg10[%swap3A_302], %swap3A_305 {strides = array<i32>} : memref<2048xf32, #tpu.memory_space<vmem>>, vector<16xf32>,
      %mul3A_306 = arith.constant 16 : i32
      %mul3A_307 = arith.muli %scan3A_54, %mul3A_306 : i32
      %add3A_308 = arith.constant 4 : i32
      %add3A_309 = arith.addi %mul3A_307, %add3A_308 : i32
      %add3A_310 = arith.constant 3 : i32
      %add3A_311 = arith.addi %add3A_309, %add3A_310 : i32
      %mul3A_312 = arith.constant 16 : i32
      %mul3A_313 = arith.muli %add3A_311, %mul3A_312 : i32
      %swap3A_314 = arith.index_cast %mul3A_313 : i32 to index
      %swap3A_315 = tpu.vector_load %arg10[%swap3A_314] {strides = array<i32>} : memref<2048xf32, #tpu.memory_space<vmem>>, vector<16xf32>,
      %swap3A_316 = vector.shape_cast %swap3A_315 : vector<16xf32> to vector<16xf32>
      %swap3A_317 = vector.shape_cast %scan3A_268#3 : vector<16xf32> to vector<16xf32>
      tpu.vector_store %arg10[%swap3A_314], %swap3A_317 {strides = array<i32>} : memref<2048xf32, #tpu.memory_space<vmem>>, vector<16xf32>,
      %slice3A_318 = vector.extract_strided_slice %mul3A_80 {offsets = [8], sizes = [1], strides = [1]} : vector<16xf32> to vector<1xf32>
      %squeeze3A_319 = vector.extract %slice3A_318[0] : f32 from vector<1xf32>
      %broadcast_in_dim3A_320 = vector.broadcast %squeeze3A_319 : f32 to vector<16xf32>
      %slice3A_321 = vector.extract_strided_slice %mul3A_80 {offsets = [9], sizes = [1], strides = [1]} : vector<16xf32> to vector<1xf32>
      %squeeze3A_322 = vector.extract %slice3A_321[0] : f32 from vector<1xf32>
      %broadcast_in_dim3A_323 = vector.broadcast %squeeze3A_322 : f32 to vector<16xf32>
      %slice3A_324 = vector.extract_strided_slice %mul3A_80 {offsets = [10], sizes = [1], strides = [1]} : vector<16xf32> to vector<1xf32>
      %squeeze3A_325 = vector.extract %slice3A_324[0] : f32 from vector<1xf32>
      %broadcast_in_dim3A_326 = vector.broadcast %squeeze3A_325 : f32 to vector<16xf32>
      %slice3A_327 = vector.extract_strided_slice %mul3A_80 {offsets = [11], sizes = [1], strides = [1]} : vector<16xf32> to vector<1xf32>
      %squeeze3A_328 = vector.extract %slice3A_327[0] : f32 from vector<1xf32>
      %broadcast_in_dim3A_329 = vector.broadcast %squeeze3A_328 : f32 to vector<16xf32>
      %slice3A_330 = vector.extract_strided_slice %mul3A_88 {offsets = [8], sizes = [1], strides = [1]} : vector<16xf32> to vector<1xf32>
      %squeeze3A_331 = vector.extract %slice3A_330[0] : f32 from vector<1xf32>
      %broadcast_in_dim3A_332 = vector.broadcast %squeeze3A_331 : f32 to vector<16xf32>
      %slice3A_333 = vector.extract_strided_slice %mul3A_88 {offsets = [9], sizes = [1], strides = [1]} : vector<16xf32> to vector<1xf32>
      %squeeze3A_334 = vector.extract %slice3A_333[0] : f32 from vector<1xf32>
      %broadcast_in_dim3A_335 = vector.broadcast %squeeze3A_334 : f32 to vector<16xf32>
      %slice3A_336 = vector.extract_strided_slice %mul3A_88 {offsets = [10], sizes = [1], strides = [1]} : vector<16xf32> to vector<1xf32>
      %squeeze3A_337 = vector.extract %slice3A_336[0] : f32 from vector<1xf32>
      %broadcast_in_dim3A_338 = vector.broadcast %squeeze3A_337 : f32 to vector<16xf32>
      %slice3A_339 = vector.extract_strided_slice %mul3A_88 {offsets = [11], sizes = [1], strides = [1]} : vector<16xf32> to vector<1xf32>
      %squeeze3A_340 = vector.extract %slice3A_339[0] : f32 from vector<1xf32>
      %broadcast_in_dim3A_341 = vector.broadcast %squeeze3A_340 : f32 to vector<16xf32>
      %slice3A_342 = vector.extract_strided_slice %mul3A_96 {offsets = [8], sizes = [1], strides = [1]} : vector<16xf32> to vector<1xf32>
      %squeeze3A_343 = vector.extract %slice3A_342[0] : f32 from vector<1xf32>
      %broadcast_in_dim3A_344 = vector.broadcast %squeeze3A_343 : f32 to vector<16xf32>
      %slice3A_345 = vector.extract_strided_slice %mul3A_96 {offsets = [9], sizes = [1], strides = [1]} : vector<16xf32> to vector<1xf32>
      %squeeze3A_346 = vector.extract %slice3A_345[0] : f32 from vector<1xf32>
      %broadcast_in_dim3A_347 = vector.broadcast %squeeze3A_346 : f32 to vector<16xf32>
      %slice3A_348 = vector.extract_strided_slice %mul3A_96 {offsets = [10], sizes = [1], strides = [1]} : vector<16xf32> to vector<1xf32>
      %squeeze3A_349 = vector.extract %slice3A_348[0] : f32 from vector<1xf32>
      %broadcast_in_dim3A_350 = vector.broadcast %squeeze3A_349 : f32 to vector<16xf32>
      %slice3A_351 = vector.extract_strided_slice %mul3A_96 {offsets = [11], sizes = [1], strides = [1]} : vector<16xf32> to vector<1xf32>
      %squeeze3A_352 = vector.extract %slice3A_351[0] : f32 from vector<1xf32>
      %broadcast_in_dim3A_353 = vector.broadcast %squeeze3A_352 : f32 to vector<16xf32>
      %slice3A_354 = vector.extract_strided_slice %add3A_101 {offsets = [8], sizes = [1], strides = [1]} : vector<16xf32> to vector<1xf32>
      %squeeze3A_355 = vector.extract %slice3A_354[0] : f32 from vector<1xf32>
      %broadcast_in_dim3A_356 = vector.broadcast %squeeze3A_355 : f32 to vector<16xf32>
      %slice3A_357 = vector.extract_strided_slice %add3A_101 {offsets = [9], sizes = [1], strides = [1]} : vector<16xf32> to vector<1xf32>
      %squeeze3A_358 = vector.extract %slice3A_357[0] : f32 from vector<1xf32>
      %broadcast_in_dim3A_359 = vector.broadcast %squeeze3A_358 : f32 to vector<16xf32>
      %slice3A_360 = vector.extract_strided_slice %add3A_101 {offsets = [10], sizes = [1], strides = [1]} : vector<16xf32> to vector<1xf32>
      %squeeze3A_361 = vector.extract %slice3A_360[0] : f32 from vector<1xf32>
      %broadcast_in_dim3A_362 = vector.broadcast %squeeze3A_361 : f32 to vector<16xf32>
      %slice3A_363 = vector.extract_strided_slice %add3A_101 {offsets = [11], sizes = [1], strides = [1]} : vector<16xf32> to vector<1xf32>
      %squeeze3A_364 = vector.extract %slice3A_363[0] : f32 from vector<1xf32>
      %broadcast_in_dim3A_365 = vector.broadcast %squeeze3A_364 : f32 to vector<16xf32>
      %broadcast_in_dim3A_366 = arith.constant 3.000000e+38 : f32
      %broadcast_in_dim3A_367 = vector.broadcast %broadcast_in_dim3A_366 : f32 to vector<16xf32>
      %broadcast_in_dim3A_368 = arith.constant 3.000000e+38 : f32
      %broadcast_in_dim3A_369 = vector.broadcast %broadcast_in_dim3A_368 : f32 to vector<16xf32>
      %broadcast_in_dim3A_370 = arith.constant 3.000000e+38 : f32
      %broadcast_in_dim3A_371 = vector.broadcast %broadcast_in_dim3A_370 : f32 to vector<16xf32>
      %broadcast_in_dim3A_372 = arith.constant 3.000000e+38 : f32
      %broadcast_in_dim3A_373 = vector.broadcast %broadcast_in_dim3A_372 : f32 to vector<16xf32>
      %scan3A_374 = arith.constant 0 : i32
      %scan3A_375 = arith.constant 128 : i32
      %scan3A_376 = arith.addi %scan3A_374, %scan3A_375 : i32
      %scan3A_377 = arith.constant 1 : i32
      %scan3A_378:4 = scf.for %scan3A_538 = %scan3A_374 to %scan3A_376 step %scan3A_377 iter_args(%scan3A_539 = %broadcast_in_dim3A_367, %scan3A_540 = %broadcast_in_dim3A_369, %scan3A_541 = %broadcast_in_dim3A_371, %scan3A_542 = %broadcast_in_dim3A_373) -> (vector<16xf32>, vector<16xf32>, vector<16xf32>, vector<16xf32>)  : i32 {
        %mul3A_543 = arith.constant 2 : i32
        %mul3A_544 = arith.muli %scan3A_538, %mul3A_543 : i32
        %add3A_545 = arith.constant 0 : i32
        %add3A_546 = arith.addi %mul3A_544, %add3A_545 : i32
        %mul3A_547 = arith.constant 16 : i32
        %mul3A_548 = arith.muli %add3A_546, %mul3A_547 : i32
        %get3A_549 = arith.index_cast %mul3A_548 : i32 to index
        %get3A_550 = tpu.vector_load %arg7[%get3A_549] {strides = array<i32>} : memref<12288xf32, #tpu.memory_space<vmem>>, vector<16xf32>,
        %get3A_551 = vector.shape_cast %get3A_550 : vector<16xf32> to vector<16xf32>
        %add3A_552 = arith.constant 4096 : i32
        %add3A_553 = arith.addi %add3A_552, %mul3A_548 : i32
        %get3A_554 = arith.index_cast %add3A_553 : i32 to index
        %get3A_555 = tpu.vector_load %arg7[%get3A_554] {strides = array<i32>} : memref<12288xf32, #tpu.memory_space<vmem>>, vector<16xf32>,
        %get3A_556 = vector.shape_cast %get3A_555 : vector<16xf32> to vector<16xf32>
        %add3A_557 = arith.constant 8192 : i32
        %add3A_558 = arith.addi %add3A_557, %mul3A_548 : i32
        %get3A_559 = arith.index_cast %add3A_558 : i32 to index
        %get3A_560 = tpu.vector_load %arg7[%get3A_559] {strides = array<i32>} : memref<12288xf32, #tpu.memory_space<vmem>>, vector<16xf32>,
        %get3A_561 = vector.shape_cast %get3A_560 : vector<16xf32> to vector<16xf32>
        %get3A_562 = arith.index_cast %mul3A_548 : i32 to index
        %get3A_563 = tpu.vector_load %arg8[%get3A_562] {strides = array<i32>} : memref<4096xf32, #tpu.memory_space<vmem>>, vector<16xf32>,
        %get3A_564 = vector.shape_cast %get3A_563 : vector<16xf32> to vector<16xf32>
        %add3A_565 = arith.addf %get3A_564, %broadcast_in_dim3A_356 : vector<16xf32>
        %mul3A_566 = arith.mulf %broadcast_in_dim3A_320, %get3A_551 : vector<16xf32>
        %mul3A_567 = arith.mulf %broadcast_in_dim3A_332, %get3A_556 : vector<16xf32>
        %add3A_568 = arith.addf %mul3A_566, %mul3A_567 : vector<16xf32>
        %mul3A_569 = arith.mulf %broadcast_in_dim3A_344, %get3A_561 : vector<16xf32>
        %add3A_570 = arith.addf %add3A_568, %mul3A_569 : vector<16xf32>
        %add3A_571 = arith.addf %add3A_565, %add3A_570 : vector<16xf32>
        %min3A = arith.minimumf %scan3A_539, %add3A_571 : vector<16xf32>
        %add3A_572 = arith.addf %get3A_564, %broadcast_in_dim3A_359 : vector<16xf32>
        %mul3A_573 = arith.mulf %broadcast_in_dim3A_323, %get3A_551 : vector<16xf32>
        %mul3A_574 = arith.mulf %broadcast_in_dim3A_335, %get3A_556 : vector<16xf32>
        %add3A_575 = arith.addf %mul3A_573, %mul3A_574 : vector<16xf32>
        %mul3A_576 = arith.mulf %broadcast_in_dim3A_347, %get3A_561 : vector<16xf32>
        %add3A_577 = arith.addf %add3A_575, %mul3A_576 : vector<16xf32>
        %add3A_578 = arith.addf %add3A_572, %add3A_577 : vector<16xf32>
        %min3A_579 = arith.minimumf %scan3A_540, %add3A_578 : vector<16xf32>
        %add3A_580 = arith.addf %get3A_564, %broadcast_in_dim3A_362 : vector<16xf32>
        %mul3A_581 = arith.mulf %broadcast_in_dim3A_326, %get3A_551 : vector<16xf32>
        %mul3A_582 = arith.mulf %broadcast_in_dim3A_338, %get3A_556 : vector<16xf32>
        %add3A_583 = arith.addf %mul3A_581, %mul3A_582 : vector<16xf32>
        %mul3A_584 = arith.mulf %broadcast_in_dim3A_350, %get3A_561 : vector<16xf32>
        %add3A_585 = arith.addf %add3A_583, %mul3A_584 : vector<16xf32>
        %add3A_586 = arith.addf %add3A_580, %add3A_585 : vector<16xf32>
        %min3A_587 = arith.minimumf %scan3A_541, %add3A_586 : vector<16xf32>
        %add3A_588 = arith.addf %get3A_564, %broadcast_in_dim3A_365 : vector<16xf32>
        %mul3A_589 = arith.mulf %broadcast_in_dim3A_329, %get3A_551 : vector<16xf32>
        %mul3A_590 = arith.mulf %broadcast_in_dim3A_341, %get3A_556 : vector<16xf32>
        %add3A_591 = arith.addf %mul3A_589, %mul3A_590 : vector<16xf32>
        %mul3A_592 = arith.mulf %broadcast_in_dim3A_353, %get3A_561 : vector<16xf32>
        %add3A_593 = arith.addf %add3A_591, %mul3A_592 : vector<16xf32>
        %add3A_594 = arith.addf %add3A_588, %add3A_593 : vector<16xf32>
        %min3A_595 = arith.minimumf %scan3A_542, %add3A_594 : vector<16xf32>
        %min3A_596 = arith.minimumf %add3A_571, %add3A_578 : vector<16xf32>
        %min3A_597 = arith.minimumf %add3A_586, %add3A_594 : vector<16xf32>
        %min3A_598 = arith.minimumf %min3A_596, %min3A_597 : vector<16xf32>
        %get3A_599 = arith.index_cast %mul3A_548 : i32 to index
        %get3A_600 = tpu.vector_load %arg9[%get3A_599] {strides = array<i32>} : memref<4096xf32, #tpu.memory_space<vmem>>, vector<16xf32>,
        %get3A_601 = vector.shape_cast %get3A_600 : vector<16xf32> to vector<16xf32>
        %min3A_602 = arith.minimumf %get3A_601, %min3A_598 : vector<16xf32>
        %swap3A_603 = arith.index_cast %mul3A_548 : i32 to index
        %swap3A_604 = tpu.vector_load %arg9[%swap3A_603] {strides = array<i32>} : memref<4096xf32, #tpu.memory_space<vmem>>, vector<16xf32>,
        %swap3A_605 = vector.shape_cast %swap3A_604 : vector<16xf32> to vector<16xf32>
        %swap3A_606 = vector.shape_cast %min3A_602 : vector<16xf32> to vector<16xf32>
        tpu.vector_store %arg9[%swap3A_603], %swap3A_606 {strides = array<i32>} : memref<4096xf32, #tpu.memory_space<vmem>>, vector<16xf32>,
        %mul3A_607 = arith.constant 2 : i32
        %mul3A_608 = arith.muli %scan3A_538, %mul3A_607 : i32
        %add3A_609 = arith.constant 1 : i32
        %add3A_610 = arith.addi %mul3A_608, %add3A_609 : i32
        %mul3A_611 = arith.constant 16 : i32
        %mul3A_612 = arith.muli %add3A_610, %mul3A_611 : i32
        %get3A_613 = arith.index_cast %mul3A_612 : i32 to index
        %get3A_614 = tpu.vector_load %arg7[%get3A_613] {strides = array<i32>} : memref<12288xf32, #tpu.memory_space<vmem>>, vector<16xf32>,
        %get3A_615 = vector.shape_cast %get3A_614 : vector<16xf32> to vector<16xf32>
        %add3A_616 = arith.constant 4096 : i32
        %add3A_617 = arith.addi %add3A_616, %mul3A_612 : i32
        %get3A_618 = arith.index_cast %add3A_617 : i32 to index
        %get3A_619 = tpu.vector_load %arg7[%get3A_618] {strides = array<i32>} : memref<12288xf32, #tpu.memory_space<vmem>>, vector<16xf32>,
        %get3A_620 = vector.shape_cast %get3A_619 : vector<16xf32> to vector<16xf32>
        %add3A_621 = arith.constant 8192 : i32
        %add3A_622 = arith.addi %add3A_621, %mul3A_612 : i32
        %get3A_623 = arith.index_cast %add3A_622 : i32 to index
        %get3A_624 = tpu.vector_load %arg7[%get3A_623] {strides = array<i32>} : memref<12288xf32, #tpu.memory_space<vmem>>, vector<16xf32>,
        %get3A_625 = vector.shape_cast %get3A_624 : vector<16xf32> to vector<16xf32>
        %get3A_626 = arith.index_cast %mul3A_612 : i32 to index
        %get3A_627 = tpu.vector_load %arg8[%get3A_626] {strides = array<i32>} : memref<4096xf32, #tpu.memory_space<vmem>>, vector<16xf32>,
        %get3A_628 = vector.shape_cast %get3A_627 : vector<16xf32> to vector<16xf32>
        %add3A_629 = arith.addf %get3A_628, %broadcast_in_dim3A_356 : vector<16xf32>
        %mul3A_630 = arith.mulf %broadcast_in_dim3A_320, %get3A_615 : vector<16xf32>
        %mul3A_631 = arith.mulf %broadcast_in_dim3A_332, %get3A_620 : vector<16xf32>
        %add3A_632 = arith.addf %mul3A_630, %mul3A_631 : vector<16xf32>
        %mul3A_633 = arith.mulf %broadcast_in_dim3A_344, %get3A_625 : vector<16xf32>
        %add3A_634 = arith.addf %add3A_632, %mul3A_633 : vector<16xf32>
        %add3A_635 = arith.addf %add3A_629, %add3A_634 : vector<16xf32>
        %min3A_636 = arith.minimumf %min3A, %add3A_635 : vector<16xf32>
        %add3A_637 = arith.addf %get3A_628, %broadcast_in_dim3A_359 : vector<16xf32>
        %mul3A_638 = arith.mulf %broadcast_in_dim3A_323, %get3A_615 : vector<16xf32>
        %mul3A_639 = arith.mulf %broadcast_in_dim3A_335, %get3A_620 : vector<16xf32>
        %add3A_640 = arith.addf %mul3A_638, %mul3A_639 : vector<16xf32>
        %mul3A_641 = arith.mulf %broadcast_in_dim3A_347, %get3A_625 : vector<16xf32>
        %add3A_642 = arith.addf %add3A_640, %mul3A_641 : vector<16xf32>
        %add3A_643 = arith.addf %add3A_637, %add3A_642 : vector<16xf32>
        %min3A_644 = arith.minimumf %min3A_579, %add3A_643 : vector<16xf32>
        %add3A_645 = arith.addf %get3A_628, %broadcast_in_dim3A_362 : vector<16xf32>
        %mul3A_646 = arith.mulf %broadcast_in_dim3A_326, %get3A_615 : vector<16xf32>
        %mul3A_647 = arith.mulf %broadcast_in_dim3A_338, %get3A_620 : vector<16xf32>
        %add3A_648 = arith.addf %mul3A_646, %mul3A_647 : vector<16xf32>
        %mul3A_649 = arith.mulf %broadcast_in_dim3A_350, %get3A_625 : vector<16xf32>
        %add3A_650 = arith.addf %add3A_648, %mul3A_649 : vector<16xf32>
        %add3A_651 = arith.addf %add3A_645, %add3A_650 : vector<16xf32>
        %min3A_652 = arith.minimumf %min3A_587, %add3A_651 : vector<16xf32>
        %add3A_653 = arith.addf %get3A_628, %broadcast_in_dim3A_365 : vector<16xf32>
        %mul3A_654 = arith.mulf %broadcast_in_dim3A_329, %get3A_615 : vector<16xf32>
        %mul3A_655 = arith.mulf %broadcast_in_dim3A_341, %get3A_620 : vector<16xf32>
        %add3A_656 = arith.addf %mul3A_654, %mul3A_655 : vector<16xf32>
        %mul3A_657 = arith.mulf %broadcast_in_dim3A_353, %get3A_625 : vector<16xf32>
        %add3A_658 = arith.addf %add3A_656, %mul3A_657 : vector<16xf32>
        %add3A_659 = arith.addf %add3A_653, %add3A_658 : vector<16xf32>
        %min3A_660 = arith.minimumf %min3A_595, %add3A_659 : vector<16xf32>
        %min3A_661 = arith.minimumf %add3A_635, %add3A_643 : vector<16xf32>
        %min3A_662 = arith.minimumf %add3A_651, %add3A_659 : vector<16xf32>
        %min3A_663 = arith.minimumf %min3A_661, %min3A_662 : vector<16xf32>
        %get3A_664 = arith.index_cast %mul3A_612 : i32 to index
        %get3A_665 = tpu.vector_load %arg9[%get3A_664] {strides = array<i32>} : memref<4096xf32, #tpu.memory_space<vmem>>, vector<16xf32>,
        %get3A_666 = vector.shape_cast %get3A_665 : vector<16xf32> to vector<16xf32>
        %min3A_667 = arith.minimumf %get3A_666, %min3A_663 : vector<16xf32>
        %swap3A_668 = arith.index_cast %mul3A_612 : i32 to index
        %swap3A_669 = tpu.vector_load %arg9[%swap3A_668] {strides = array<i32>} : memref<4096xf32, #tpu.memory_space<vmem>>, vector<16xf32>,
        %swap3A_670 = vector.shape_cast %swap3A_669 : vector<16xf32> to vector<16xf32>
        %swap3A_671 = vector.shape_cast %min3A_667 : vector<16xf32> to vector<16xf32>
        tpu.vector_store %arg9[%swap3A_668], %swap3A_671 {strides = array<i32>} : memref<4096xf32, #tpu.memory_space<vmem>>, vector<16xf32>,
        scf.yield %min3A_636, %min3A_644, %min3A_652, %min3A_660 : vector<16xf32>, vector<16xf32>, vector<16xf32>, vector<16xf32>
      }
      %scan3A_379 = arith.constant 128 : i32
      %mul3A_380 = arith.constant 16 : i32
      %mul3A_381 = arith.muli %scan3A_54, %mul3A_380 : i32
      %add3A_382 = arith.constant 8 : i32
      %add3A_383 = arith.addi %mul3A_381, %add3A_382 : i32
      %add3A_384 = arith.constant 0 : i32
      %add3A_385 = arith.addi %add3A_383, %add3A_384 : i32
      %mul3A_386 = arith.constant 16 : i32
      %mul3A_387 = arith.muli %add3A_385, %mul3A_386 : i32
      %swap3A_388 = arith.index_cast %mul3A_387 : i32 to index
      %swap3A_389 = tpu.vector_load %arg10[%swap3A_388] {strides = array<i32>} : memref<2048xf32, #tpu.memory_space<vmem>>, vector<16xf32>,
      %swap3A_390 = vector.shape_cast %swap3A_389 : vector<16xf32> to vector<16xf32>
      %swap3A_391 = vector.shape_cast %scan3A_378#0 : vector<16xf32> to vector<16xf32>
      tpu.vector_store %arg10[%swap3A_388], %swap3A_391 {strides = array<i32>} : memref<2048xf32, #tpu.memory_space<vmem>>, vector<16xf32>,
      %mul3A_392 = arith.constant 16 : i32
      %mul3A_393 = arith.muli %scan3A_54, %mul3A_392 : i32
      %add3A_394 = arith.constant 8 : i32
      %add3A_395 = arith.addi %mul3A_393, %add3A_394 : i32
      %add3A_396 = arith.constant 1 : i32
      %add3A_397 = arith.addi %add3A_395, %add3A_396 : i32
      %mul3A_398 = arith.constant 16 : i32
      %mul3A_399 = arith.muli %add3A_397, %mul3A_398 : i32
      %swap3A_400 = arith.index_cast %mul3A_399 : i32 to index
      %swap3A_401 = tpu.vector_load %arg10[%swap3A_400] {strides = array<i32>} : memref<2048xf32, #tpu.memory_space<vmem>>, vector<16xf32>,
      %swap3A_402 = vector.shape_cast %swap3A_401 : vector<16xf32> to vector<16xf32>
      %swap3A_403 = vector.shape_cast %scan3A_378#1 : vector<16xf32> to vector<16xf32>
      tpu.vector_store %arg10[%swap3A_400], %swap3A_403 {strides = array<i32>} : memref<2048xf32, #tpu.memory_space<vmem>>, vector<16xf32>,
      %mul3A_404 = arith.constant 16 : i32
      %mul3A_405 = arith.muli %scan3A_54, %mul3A_404 : i32
      %add3A_406 = arith.constant 8 : i32
      %add3A_407 = arith.addi %mul3A_405, %add3A_406 : i32
      %add3A_408 = arith.constant 2 : i32
      %add3A_409 = arith.addi %add3A_407, %add3A_408 : i32
      %mul3A_410 = arith.constant 16 : i32
      %mul3A_411 = arith.muli %add3A_409, %mul3A_410 : i32
      %swap3A_412 = arith.index_cast %mul3A_411 : i32 to index
      %swap3A_413 = tpu.vector_load %arg10[%swap3A_412] {strides = array<i32>} : memref<2048xf32, #tpu.memory_space<vmem>>, vector<16xf32>,
      %swap3A_414 = vector.shape_cast %swap3A_413 : vector<16xf32> to vector<16xf32>
      %swap3A_415 = vector.shape_cast %scan3A_378#2 : vector<16xf32> to vector<16xf32>
      tpu.vector_store %arg10[%swap3A_412], %swap3A_415 {strides = array<i32>} : memref<2048xf32, #tpu.memory_space<vmem>>, vector<16xf32>,
      %mul3A_416 = arith.constant 16 : i32
      %mul3A_417 = arith.muli %scan3A_54, %mul3A_416 : i32
      %add3A_418 = arith.constant 8 : i32
      %add3A_419 = arith.addi %mul3A_417, %add3A_418 : i32
      %add3A_420 = arith.constant 3 : i32
      %add3A_421 = arith.addi %add3A_419, %add3A_420 : i32
      %mul3A_422 = arith.constant 16 : i32
      %mul3A_423 = arith.muli %add3A_421, %mul3A_422 : i32
      %swap3A_424 = arith.index_cast %mul3A_423 : i32 to index
      %swap3A_425 = tpu.vector_load %arg10[%swap3A_424] {strides = array<i32>} : memref<2048xf32, #tpu.memory_space<vmem>>, vector<16xf32>,
      %swap3A_426 = vector.shape_cast %swap3A_425 : vector<16xf32> to vector<16xf32>
      %swap3A_427 = vector.shape_cast %scan3A_378#3 : vector<16xf32> to vector<16xf32>
      tpu.vector_store %arg10[%swap3A_424], %swap3A_427 {strides = array<i32>} : memref<2048xf32, #tpu.memory_space<vmem>>, vector<16xf32>,
      %slice3A_428 = vector.extract_strided_slice %mul3A_80 {offsets = [12], sizes = [1], strides = [1]} : vector<16xf32> to vector<1xf32>
      %squeeze3A_429 = vector.extract %slice3A_428[0] : f32 from vector<1xf32>
      %broadcast_in_dim3A_430 = vector.broadcast %squeeze3A_429 : f32 to vector<16xf32>
      %slice3A_431 = vector.extract_strided_slice %mul3A_80 {offsets = [13], sizes = [1], strides = [1]} : vector<16xf32> to vector<1xf32>
      %squeeze3A_432 = vector.extract %slice3A_431[0] : f32 from vector<1xf32>
      %broadcast_in_dim3A_433 = vector.broadcast %squeeze3A_432 : f32 to vector<16xf32>
      %slice3A_434 = vector.extract_strided_slice %mul3A_80 {offsets = [14], sizes = [1], strides = [1]} : vector<16xf32> to vector<1xf32>
      %squeeze3A_435 = vector.extract %slice3A_434[0] : f32 from vector<1xf32>
      %broadcast_in_dim3A_436 = vector.broadcast %squeeze3A_435 : f32 to vector<16xf32>
      %slice3A_437 = vector.extract_strided_slice %mul3A_80 {offsets = [15], sizes = [1], strides = [1]} : vector<16xf32> to vector<1xf32>
      %squeeze3A_438 = vector.extract %slice3A_437[0] : f32 from vector<1xf32>
      %broadcast_in_dim3A_439 = vector.broadcast %squeeze3A_438 : f32 to vector<16xf32>
      %slice3A_440 = vector.extract_strided_slice %mul3A_88 {offsets = [12], sizes = [1], strides = [1]} : vector<16xf32> to vector<1xf32>
      %squeeze3A_441 = vector.extract %slice3A_440[0] : f32 from vector<1xf32>
      %broadcast_in_dim3A_442 = vector.broadcast %squeeze3A_441 : f32 to vector<16xf32>
      %slice3A_443 = vector.extract_strided_slice %mul3A_88 {offsets = [13], sizes = [1], strides = [1]} : vector<16xf32> to vector<1xf32>
      %squeeze3A_444 = vector.extract %slice3A_443[0] : f32 from vector<1xf32>
      %broadcast_in_dim3A_445 = vector.broadcast %squeeze3A_444 : f32 to vector<16xf32>
      %slice3A_446 = vector.extract_strided_slice %mul3A_88 {offsets = [14], sizes = [1], strides = [1]} : vector<16xf32> to vector<1xf32>
      %squeeze3A_447 = vector.extract %slice3A_446[0] : f32 from vector<1xf32>
      %broadcast_in_dim3A_448 = vector.broadcast %squeeze3A_447 : f32 to vector<16xf32>
      %slice3A_449 = vector.extract_strided_slice %mul3A_88 {offsets = [15], sizes = [1], strides = [1]} : vector<16xf32> to vector<1xf32>
      %squeeze3A_450 = vector.extract %slice3A_449[0] : f32 from vector<1xf32>
      %broadcast_in_dim3A_451 = vector.broadcast %squeeze3A_450 : f32 to vector<16xf32>
      %slice3A_452 = vector.extract_strided_slice %mul3A_96 {offsets = [12], sizes = [1], strides = [1]} : vector<16xf32> to vector<1xf32>
      %squeeze3A_453 = vector.extract %slice3A_452[0] : f32 from vector<1xf32>
      %broadcast_in_dim3A_454 = vector.broadcast %squeeze3A_453 : f32 to vector<16xf32>
      %slice3A_455 = vector.extract_strided_slice %mul3A_96 {offsets = [13], sizes = [1], strides = [1]} : vector<16xf32> to vector<1xf32>
      %squeeze3A_456 = vector.extract %slice3A_455[0] : f32 from vector<1xf32>
      %broadcast_in_dim3A_457 = vector.broadcast %squeeze3A_456 : f32 to vector<16xf32>
      %slice3A_458 = vector.extract_strided_slice %mul3A_96 {offsets = [14], sizes = [1], strides = [1]} : vector<16xf32> to vector<1xf32>
      %squeeze3A_459 = vector.extract %slice3A_458[0] : f32 from vector<1xf32>
      %broadcast_in_dim3A_460 = vector.broadcast %squeeze3A_459 : f32 to vector<16xf32>
      %slice3A_461 = vector.extract_strided_slice %mul3A_96 {offsets = [15], sizes = [1], strides = [1]} : vector<16xf32> to vector<1xf32>
      %squeeze3A_462 = vector.extract %slice3A_461[0] : f32 from vector<1xf32>
      %broadcast_in_dim3A_463 = vector.broadcast %squeeze3A_462 : f32 to vector<16xf32>
      %slice3A_464 = vector.extract_strided_slice %add3A_101 {offsets = [12], sizes = [1], strides = [1]} : vector<16xf32> to vector<1xf32>
      %squeeze3A_465 = vector.extract %slice3A_464[0] : f32 from vector<1xf32>
      %broadcast_in_dim3A_466 = vector.broadcast %squeeze3A_465 : f32 to vector<16xf32>
      %slice3A_467 = vector.extract_strided_slice %add3A_101 {offsets = [13], sizes = [1], strides = [1]} : vector<16xf32> to vector<1xf32>
      %squeeze3A_468 = vector.extract %slice3A_467[0] : f32 from vector<1xf32>
      %broadcast_in_dim3A_469 = vector.broadcast %squeeze3A_468 : f32 to vector<16xf32>
      %slice3A_470 = vector.extract_strided_slice %add3A_101 {offsets = [14], sizes = [1], strides = [1]} : vector<16xf32> to vector<1xf32>
      %squeeze3A_471 = vector.extract %slice3A_470[0] : f32 from vector<1xf32>
      %broadcast_in_dim3A_472 = vector.broadcast %squeeze3A_471 : f32 to vector<16xf32>
      %slice3A_473 = vector.extract_strided_slice %add3A_101 {offsets = [15], sizes = [1], strides = [1]} : vector<16xf32> to vector<1xf32>
      %squeeze3A_474 = vector.extract %slice3A_473[0] : f32 from vector<1xf32>
      %broadcast_in_dim3A_475 = vector.broadcast %squeeze3A_474 : f32 to vector<16xf32>
      %broadcast_in_dim3A_476 = arith.constant 3.000000e+38 : f32
      %broadcast_in_dim3A_477 = vector.broadcast %broadcast_in_dim3A_476 : f32 to vector<16xf32>
      %broadcast_in_dim3A_478 = arith.constant 3.000000e+38 : f32
      %broadcast_in_dim3A_479 = vector.broadcast %broadcast_in_dim3A_478 : f32 to vector<16xf32>
      %broadcast_in_dim3A_480 = arith.constant 3.000000e+38 : f32
      %broadcast_in_dim3A_481 = vector.broadcast %broadcast_in_dim3A_480 : f32 to vector<16xf32>
      %broadcast_in_dim3A_482 = arith.constant 3.000000e+38 : f32
      %broadcast_in_dim3A_483 = vector.broadcast %broadcast_in_dim3A_482 : f32 to vector<16xf32>
      %scan3A_484 = arith.constant 0 : i32
      %scan3A_485 = arith.constant 128 : i32
      %scan3A_486 = arith.addi %scan3A_484, %scan3A_485 : i32
      %scan3A_487 = arith.constant 1 : i32
      %scan3A_488:4 = scf.for %scan3A_538 = %scan3A_484 to %scan3A_486 step %scan3A_487 iter_args(%scan3A_539 = %broadcast_in_dim3A_477, %scan3A_540 = %broadcast_in_dim3A_479, %scan3A_541 = %broadcast_in_dim3A_481, %scan3A_542 = %broadcast_in_dim3A_483) -> (vector<16xf32>, vector<16xf32>, vector<16xf32>, vector<16xf32>)  : i32 {
        %mul3A_543 = arith.constant 2 : i32
        %mul3A_544 = arith.muli %scan3A_538, %mul3A_543 : i32
        %add3A_545 = arith.constant 0 : i32
        %add3A_546 = arith.addi %mul3A_544, %add3A_545 : i32
        %mul3A_547 = arith.constant 16 : i32
        %mul3A_548 = arith.muli %add3A_546, %mul3A_547 : i32
        %get3A_549 = arith.index_cast %mul3A_548 : i32 to index
        %get3A_550 = tpu.vector_load %arg7[%get3A_549] {strides = array<i32>} : memref<12288xf32, #tpu.memory_space<vmem>>, vector<16xf32>,
        %get3A_551 = vector.shape_cast %get3A_550 : vector<16xf32> to vector<16xf32>
        %add3A_552 = arith.constant 4096 : i32
        %add3A_553 = arith.addi %add3A_552, %mul3A_548 : i32
        %get3A_554 = arith.index_cast %add3A_553 : i32 to index
        %get3A_555 = tpu.vector_load %arg7[%get3A_554] {strides = array<i32>} : memref<12288xf32, #tpu.memory_space<vmem>>, vector<16xf32>,
        %get3A_556 = vector.shape_cast %get3A_555 : vector<16xf32> to vector<16xf32>
        %add3A_557 = arith.constant 8192 : i32
        %add3A_558 = arith.addi %add3A_557, %mul3A_548 : i32
        %get3A_559 = arith.index_cast %add3A_558 : i32 to index
        %get3A_560 = tpu.vector_load %arg7[%get3A_559] {strides = array<i32>} : memref<12288xf32, #tpu.memory_space<vmem>>, vector<16xf32>,
        %get3A_561 = vector.shape_cast %get3A_560 : vector<16xf32> to vector<16xf32>
        %get3A_562 = arith.index_cast %mul3A_548 : i32 to index
        %get3A_563 = tpu.vector_load %arg8[%get3A_562] {strides = array<i32>} : memref<4096xf32, #tpu.memory_space<vmem>>, vector<16xf32>,
        %get3A_564 = vector.shape_cast %get3A_563 : vector<16xf32> to vector<16xf32>
        %add3A_565 = arith.addf %get3A_564, %broadcast_in_dim3A_466 : vector<16xf32>
        %mul3A_566 = arith.mulf %broadcast_in_dim3A_430, %get3A_551 : vector<16xf32>
        %mul3A_567 = arith.mulf %broadcast_in_dim3A_442, %get3A_556 : vector<16xf32>
        %add3A_568 = arith.addf %mul3A_566, %mul3A_567 : vector<16xf32>
        %mul3A_569 = arith.mulf %broadcast_in_dim3A_454, %get3A_561 : vector<16xf32>
        %add3A_570 = arith.addf %add3A_568, %mul3A_569 : vector<16xf32>
        %add3A_571 = arith.addf %add3A_565, %add3A_570 : vector<16xf32>
        %min3A = arith.minimumf %scan3A_539, %add3A_571 : vector<16xf32>
        %add3A_572 = arith.addf %get3A_564, %broadcast_in_dim3A_469 : vector<16xf32>
        %mul3A_573 = arith.mulf %broadcast_in_dim3A_433, %get3A_551 : vector<16xf32>
        %mul3A_574 = arith.mulf %broadcast_in_dim3A_445, %get3A_556 : vector<16xf32>
        %add3A_575 = arith.addf %mul3A_573, %mul3A_574 : vector<16xf32>
        %mul3A_576 = arith.mulf %broadcast_in_dim3A_457, %get3A_561 : vector<16xf32>
        %add3A_577 = arith.addf %add3A_575, %mul3A_576 : vector<16xf32>
        %add3A_578 = arith.addf %add3A_572, %add3A_577 : vector<16xf32>
        %min3A_579 = arith.minimumf %scan3A_540, %add3A_578 : vector<16xf32>
        %add3A_580 = arith.addf %get3A_564, %broadcast_in_dim3A_472 : vector<16xf32>
        %mul3A_581 = arith.mulf %broadcast_in_dim3A_436, %get3A_551 : vector<16xf32>
        %mul3A_582 = arith.mulf %broadcast_in_dim3A_448, %get3A_556 : vector<16xf32>
        %add3A_583 = arith.addf %mul3A_581, %mul3A_582 : vector<16xf32>
        %mul3A_584 = arith.mulf %broadcast_in_dim3A_460, %get3A_561 : vector<16xf32>
        %add3A_585 = arith.addf %add3A_583, %mul3A_584 : vector<16xf32>
        %add3A_586 = arith.addf %add3A_580, %add3A_585 : vector<16xf32>
        %min3A_587 = arith.minimumf %scan3A_541, %add3A_586 : vector<16xf32>
        %add3A_588 = arith.addf %get3A_564, %broadcast_in_dim3A_475 : vector<16xf32>
        %mul3A_589 = arith.mulf %broadcast_in_dim3A_439, %get3A_551 : vector<16xf32>
        %mul3A_590 = arith.mulf %broadcast_in_dim3A_451, %get3A_556 : vector<16xf32>
        %add3A_591 = arith.addf %mul3A_589, %mul3A_590 : vector<16xf32>
        %mul3A_592 = arith.mulf %broadcast_in_dim3A_463, %get3A_561 : vector<16xf32>
        %add3A_593 = arith.addf %add3A_591, %mul3A_592 : vector<16xf32>
        %add3A_594 = arith.addf %add3A_588, %add3A_593 : vector<16xf32>
        %min3A_595 = arith.minimumf %scan3A_542, %add3A_594 : vector<16xf32>
        %min3A_596 = arith.minimumf %add3A_571, %add3A_578 : vector<16xf32>
        %min3A_597 = arith.minimumf %add3A_586, %add3A_594 : vector<16xf32>
        %min3A_598 = arith.minimumf %min3A_596, %min3A_597 : vector<16xf32>
        %get3A_599 = arith.index_cast %mul3A_548 : i32 to index
        %get3A_600 = tpu.vector_load %arg9[%get3A_599] {strides = array<i32>} : memref<4096xf32, #tpu.memory_space<vmem>>, vector<16xf32>,
        %get3A_601 = vector.shape_cast %get3A_600 : vector<16xf32> to vector<16xf32>
        %min3A_602 = arith.minimumf %get3A_601, %min3A_598 : vector<16xf32>
        %swap3A_603 = arith.index_cast %mul3A_548 : i32 to index
        %swap3A_604 = tpu.vector_load %arg9[%swap3A_603] {strides = array<i32>} : memref<4096xf32, #tpu.memory_space<vmem>>, vector<16xf32>,
        %swap3A_605 = vector.shape_cast %swap3A_604 : vector<16xf32> to vector<16xf32>
        %swap3A_606 = vector.shape_cast %min3A_602 : vector<16xf32> to vector<16xf32>
        tpu.vector_store %arg9[%swap3A_603], %swap3A_606 {strides = array<i32>} : memref<4096xf32, #tpu.memory_space<vmem>>, vector<16xf32>,
        %mul3A_607 = arith.constant 2 : i32
        %mul3A_608 = arith.muli %scan3A_538, %mul3A_607 : i32
        %add3A_609 = arith.constant 1 : i32
        %add3A_610 = arith.addi %mul3A_608, %add3A_609 : i32
        %mul3A_611 = arith.constant 16 : i32
        %mul3A_612 = arith.muli %add3A_610, %mul3A_611 : i32
        %get3A_613 = arith.index_cast %mul3A_612 : i32 to index
        %get3A_614 = tpu.vector_load %arg7[%get3A_613] {strides = array<i32>} : memref<12288xf32, #tpu.memory_space<vmem>>, vector<16xf32>,
        %get3A_615 = vector.shape_cast %get3A_614 : vector<16xf32> to vector<16xf32>
        %add3A_616 = arith.constant 4096 : i32
        %add3A_617 = arith.addi %add3A_616, %mul3A_612 : i32
        %get3A_618 = arith.index_cast %add3A_617 : i32 to index
        %get3A_619 = tpu.vector_load %arg7[%get3A_618] {strides = array<i32>} : memref<12288xf32, #tpu.memory_space<vmem>>, vector<16xf32>,
        %get3A_620 = vector.shape_cast %get3A_619 : vector<16xf32> to vector<16xf32>
        %add3A_621 = arith.constant 8192 : i32
        %add3A_622 = arith.addi %add3A_621, %mul3A_612 : i32
        %get3A_623 = arith.index_cast %add3A_622 : i32 to index
        %get3A_624 = tpu.vector_load %arg7[%get3A_623] {strides = array<i32>} : memref<12288xf32, #tpu.memory_space<vmem>>, vector<16xf32>,
        %get3A_625 = vector.shape_cast %get3A_624 : vector<16xf32> to vector<16xf32>
        %get3A_626 = arith.index_cast %mul3A_612 : i32 to index
        %get3A_627 = tpu.vector_load %arg8[%get3A_626] {strides = array<i32>} : memref<4096xf32, #tpu.memory_space<vmem>>, vector<16xf32>,
        %get3A_628 = vector.shape_cast %get3A_627 : vector<16xf32> to vector<16xf32>
        %add3A_629 = arith.addf %get3A_628, %broadcast_in_dim3A_466 : vector<16xf32>
        %mul3A_630 = arith.mulf %broadcast_in_dim3A_430, %get3A_615 : vector<16xf32>
        %mul3A_631 = arith.mulf %broadcast_in_dim3A_442, %get3A_620 : vector<16xf32>
        %add3A_632 = arith.addf %mul3A_630, %mul3A_631 : vector<16xf32>
        %mul3A_633 = arith.mulf %broadcast_in_dim3A_454, %get3A_625 : vector<16xf32>
        %add3A_634 = arith.addf %add3A_632, %mul3A_633 : vector<16xf32>
        %add3A_635 = arith.addf %add3A_629, %add3A_634 : vector<16xf32>
        %min3A_636 = arith.minimumf %min3A, %add3A_635 : vector<16xf32>
        %add3A_637 = arith.addf %get3A_628, %broadcast_in_dim3A_469 : vector<16xf32>
        %mul3A_638 = arith.mulf %broadcast_in_dim3A_433, %get3A_615 : vector<16xf32>
        %mul3A_639 = arith.mulf %broadcast_in_dim3A_445, %get3A_620 : vector<16xf32>
        %add3A_640 = arith.addf %mul3A_638, %mul3A_639 : vector<16xf32>
        %mul3A_641 = arith.mulf %broadcast_in_dim3A_457, %get3A_625 : vector<16xf32>
        %add3A_642 = arith.addf %add3A_640, %mul3A_641 : vector<16xf32>
        %add3A_643 = arith.addf %add3A_637, %add3A_642 : vector<16xf32>
        %min3A_644 = arith.minimumf %min3A_579, %add3A_643 : vector<16xf32>
        %add3A_645 = arith.addf %get3A_628, %broadcast_in_dim3A_472 : vector<16xf32>
        %mul3A_646 = arith.mulf %broadcast_in_dim3A_436, %get3A_615 : vector<16xf32>
        %mul3A_647 = arith.mulf %broadcast_in_dim3A_448, %get3A_620 : vector<16xf32>
        %add3A_648 = arith.addf %mul3A_646, %mul3A_647 : vector<16xf32>
        %mul3A_649 = arith.mulf %broadcast_in_dim3A_460, %get3A_625 : vector<16xf32>
        %add3A_650 = arith.addf %add3A_648, %mul3A_649 : vector<16xf32>
        %add3A_651 = arith.addf %add3A_645, %add3A_650 : vector<16xf32>
        %min3A_652 = arith.minimumf %min3A_587, %add3A_651 : vector<16xf32>
        %add3A_653 = arith.addf %get3A_628, %broadcast_in_dim3A_475 : vector<16xf32>
        %mul3A_654 = arith.mulf %broadcast_in_dim3A_439, %get3A_615 : vector<16xf32>
        %mul3A_655 = arith.mulf %broadcast_in_dim3A_451, %get3A_620 : vector<16xf32>
        %add3A_656 = arith.addf %mul3A_654, %mul3A_655 : vector<16xf32>
        %mul3A_657 = arith.mulf %broadcast_in_dim3A_463, %get3A_625 : vector<16xf32>
        %add3A_658 = arith.addf %add3A_656, %mul3A_657 : vector<16xf32>
        %add3A_659 = arith.addf %add3A_653, %add3A_658 : vector<16xf32>
        %min3A_660 = arith.minimumf %min3A_595, %add3A_659 : vector<16xf32>
        %min3A_661 = arith.minimumf %add3A_635, %add3A_643 : vector<16xf32>
        %min3A_662 = arith.minimumf %add3A_651, %add3A_659 : vector<16xf32>
        %min3A_663 = arith.minimumf %min3A_661, %min3A_662 : vector<16xf32>
        %get3A_664 = arith.index_cast %mul3A_612 : i32 to index
        %get3A_665 = tpu.vector_load %arg9[%get3A_664] {strides = array<i32>} : memref<4096xf32, #tpu.memory_space<vmem>>, vector<16xf32>,
        %get3A_666 = vector.shape_cast %get3A_665 : vector<16xf32> to vector<16xf32>
        %min3A_667 = arith.minimumf %get3A_666, %min3A_663 : vector<16xf32>
        %swap3A_668 = arith.index_cast %mul3A_612 : i32 to index
        %swap3A_669 = tpu.vector_load %arg9[%swap3A_668] {strides = array<i32>} : memref<4096xf32, #tpu.memory_space<vmem>>, vector<16xf32>,
        %swap3A_670 = vector.shape_cast %swap3A_669 : vector<16xf32> to vector<16xf32>
        %swap3A_671 = vector.shape_cast %min3A_667 : vector<16xf32> to vector<16xf32>
        tpu.vector_store %arg9[%swap3A_668], %swap3A_671 {strides = array<i32>} : memref<4096xf32, #tpu.memory_space<vmem>>, vector<16xf32>,
        scf.yield %min3A_636, %min3A_644, %min3A_652, %min3A_660 : vector<16xf32>, vector<16xf32>, vector<16xf32>, vector<16xf32>
      }
      %scan3A_489 = arith.constant 128 : i32
      %mul3A_490 = arith.constant 16 : i32
      %mul3A_491 = arith.muli %scan3A_54, %mul3A_490 : i32
      %add3A_492 = arith.constant 12 : i32
      %add3A_493 = arith.addi %mul3A_491, %add3A_492 : i32
      %add3A_494 = arith.constant 0 : i32
      %add3A_495 = arith.addi %add3A_493, %add3A_494 : i32
      %mul3A_496 = arith.constant 16 : i32
      %mul3A_497 = arith.muli %add3A_495, %mul3A_496 : i32
      %swap3A_498 = arith.index_cast %mul3A_497 : i32 to index
      %swap3A_499 = tpu.vector_load %arg10[%swap3A_498] {strides = array<i32>} : memref<2048xf32, #tpu.memory_space<vmem>>, vector<16xf32>,
      %swap3A_500 = vector.shape_cast %swap3A_499 : vector<16xf32> to vector<16xf32>
      %swap3A_501 = vector.shape_cast %scan3A_488#0 : vector<16xf32> to vector<16xf32>
      tpu.vector_store %arg10[%swap3A_498], %swap3A_501 {strides = array<i32>} : memref<2048xf32, #tpu.memory_space<vmem>>, vector<16xf32>,
      %mul3A_502 = arith.constant 16 : i32
      %mul3A_503 = arith.muli %scan3A_54, %mul3A_502 : i32
      %add3A_504 = arith.constant 12 : i32
      %add3A_505 = arith.addi %mul3A_503, %add3A_504 : i32
      %add3A_506 = arith.constant 1 : i32
      %add3A_507 = arith.addi %add3A_505, %add3A_506 : i32
      %mul3A_508 = arith.constant 16 : i32
      %mul3A_509 = arith.muli %add3A_507, %mul3A_508 : i32
      %swap3A_510 = arith.index_cast %mul3A_509 : i32 to index
      %swap3A_511 = tpu.vector_load %arg10[%swap3A_510] {strides = array<i32>} : memref<2048xf32, #tpu.memory_space<vmem>>, vector<16xf32>,
      %swap3A_512 = vector.shape_cast %swap3A_511 : vector<16xf32> to vector<16xf32>
      %swap3A_513 = vector.shape_cast %scan3A_488#1 : vector<16xf32> to vector<16xf32>
      tpu.vector_store %arg10[%swap3A_510], %swap3A_513 {strides = array<i32>} : memref<2048xf32, #tpu.memory_space<vmem>>, vector<16xf32>,
      %mul3A_514 = arith.constant 16 : i32
      %mul3A_515 = arith.muli %scan3A_54, %mul3A_514 : i32
      %add3A_516 = arith.constant 12 : i32
      %add3A_517 = arith.addi %mul3A_515, %add3A_516 : i32
      %add3A_518 = arith.constant 2 : i32
      %add3A_519 = arith.addi %add3A_517, %add3A_518 : i32
      %mul3A_520 = arith.constant 16 : i32
      %mul3A_521 = arith.muli %add3A_519, %mul3A_520 : i32
      %swap3A_522 = arith.index_cast %mul3A_521 : i32 to index
      %swap3A_523 = tpu.vector_load %arg10[%swap3A_522] {strides = array<i32>} : memref<2048xf32, #tpu.memory_space<vmem>>, vector<16xf32>,
      %swap3A_524 = vector.shape_cast %swap3A_523 : vector<16xf32> to vector<16xf32>
      %swap3A_525 = vector.shape_cast %scan3A_488#2 : vector<16xf32> to vector<16xf32>
      tpu.vector_store %arg10[%swap3A_522], %swap3A_525 {strides = array<i32>} : memref<2048xf32, #tpu.memory_space<vmem>>, vector<16xf32>,
      %mul3A_526 = arith.constant 16 : i32
      %mul3A_527 = arith.muli %scan3A_54, %mul3A_526 : i32
      %add3A_528 = arith.constant 12 : i32
      %add3A_529 = arith.addi %mul3A_527, %add3A_528 : i32
      %add3A_530 = arith.constant 3 : i32
      %add3A_531 = arith.addi %add3A_529, %add3A_530 : i32
      %mul3A_532 = arith.constant 16 : i32
      %mul3A_533 = arith.muli %add3A_531, %mul3A_532 : i32
      %swap3A_534 = arith.index_cast %mul3A_533 : i32 to index
      %swap3A_535 = tpu.vector_load %arg10[%swap3A_534] {strides = array<i32>} : memref<2048xf32, #tpu.memory_space<vmem>>, vector<16xf32>,
      %swap3A_536 = vector.shape_cast %swap3A_535 : vector<16xf32> to vector<16xf32>
      %swap3A_537 = vector.shape_cast %scan3A_488#3 : vector<16xf32> to vector<16xf32>
      tpu.vector_store %arg10[%swap3A_534], %swap3A_537 {strides = array<i32>} : memref<2048xf32, #tpu.memory_space<vmem>>, vector<16xf32>,
    }
    %scan3A_53 = arith.constant 8 : i32
    "tpu.region"() ({
      %run_scoped3A = tpu.sem_alloc : memref<!tpu.dma_semaphore, #tpu.memory_space<semaphore_mem>>
      %dma_start3A = arith.constant 0 : i32
      %dma_start3A_54 = tpu.memref_slice %arg4[%add3A, %dma_start3A] : memref<32x2048xf32, #tpu.memory_space<hbm>> -> memref<1x2048xf32, #tpu.memory_space<hbm>>
      %dma_start3A_55 = tpu.memref_squeeze %dma_start3A_54 : memref<1x2048xf32, #tpu.memory_space<hbm>> -> memref<2048xf32, #tpu.memory_space<hbm>>
      %dma_start3A_56 = arith.constant 0 : i32
      %dma_start3A_57 = tpu.memref_slice %arg4[%add3A, %dma_start3A_56] : memref<32x2048xf32, #tpu.memory_space<hbm>> -> memref<1x2048xf32, #tpu.memory_space<hbm>>
      %dma_start3A_58 = tpu.memref_squeeze %dma_start3A_57 : memref<1x2048xf32, #tpu.memory_space<hbm>> -> memref<2048xf32, #tpu.memory_space<hbm>>
      tpu.enqueue_dma source(%arg10 : memref<2048xf32, #tpu.memory_space<vmem>>) target(%dma_start3A_58 : memref<2048xf32, #tpu.memory_space<hbm>>) target_semaphore(%run_scoped3A : memref<!tpu.dma_semaphore, #tpu.memory_space<semaphore_mem>>)
      %dma_wait3A = arith.constant 0 : i32
      %dma_wait3A_59 = tpu.memref_slice %arg4[%add3A, %dma_wait3A] : memref<32x2048xf32, #tpu.memory_space<hbm>> -> memref<1x2048xf32, #tpu.memory_space<hbm>>
      %dma_wait3A_60 = tpu.memref_squeeze %dma_wait3A_59 : memref<1x2048xf32, #tpu.memory_space<hbm>> -> memref<2048xf32, #tpu.memory_space<hbm>>
      %dma_wait3A_61 = arith.constant 0 : i32
      %dma_wait3A_62 = tpu.memref_slice %arg4[%add3A, %dma_wait3A_61] : memref<32x2048xf32, #tpu.memory_space<hbm>> -> memref<1x2048xf32, #tpu.memory_space<hbm>>
      %dma_wait3A_63 = tpu.memref_squeeze %dma_wait3A_62 : memref<1x2048xf32, #tpu.memory_space<hbm>> -> memref<2048xf32, #tpu.memory_space<hbm>>
      tpu.wait_dma2 semaphore(%run_scoped3A : memref<!tpu.dma_semaphore, #tpu.memory_space<semaphore_mem>>) src(%arg10 : memref<2048xf32, #tpu.memory_space<vmem>>) dst(%dma_wait3A_63 : memref<2048xf32, #tpu.memory_space<hbm>>)
      tpu.yield
    }) : () -> ()
    "tpu.region"() ({
      %run_scoped3A = tpu.sem_alloc : memref<!tpu.dma_semaphore, #tpu.memory_space<semaphore_mem>>
      %dma_start3A = arith.constant 0 : i32
      %dma_start3A_54 = tpu.memref_slice %arg5[%select_n3A, %select_n3A_30, %dma_start3A] : memref<8x4x4096xf32, #tpu.memory_space<hbm>> -> memref<1x1x4096xf32, #tpu.memory_space<hbm>>
      %dma_start3A_55 = tpu.memref_squeeze %dma_start3A_54 : memref<1x1x4096xf32, #tpu.memory_space<hbm>> -> memref<4096xf32, #tpu.memory_space<hbm>>
      %dma_start3A_56 = arith.constant 0 : i32
      %dma_start3A_57 = tpu.memref_slice %arg5[%select_n3A, %select_n3A_30, %dma_start3A_56] : memref<8x4x4096xf32, #tpu.memory_space<hbm>> -> memref<1x1x4096xf32, #tpu.memory_space<hbm>>
      %dma_start3A_58 = tpu.memref_squeeze %dma_start3A_57 : memref<1x1x4096xf32, #tpu.memory_space<hbm>> -> memref<4096xf32, #tpu.memory_space<hbm>>
      tpu.enqueue_dma source(%arg9 : memref<4096xf32, #tpu.memory_space<vmem>>) target(%dma_start3A_58 : memref<4096xf32, #tpu.memory_space<hbm>>) target_semaphore(%run_scoped3A : memref<!tpu.dma_semaphore, #tpu.memory_space<semaphore_mem>>)
      %dma_wait3A = arith.constant 0 : i32
      %dma_wait3A_59 = tpu.memref_slice %arg5[%select_n3A, %select_n3A_30, %dma_wait3A] : memref<8x4x4096xf32, #tpu.memory_space<hbm>> -> memref<1x1x4096xf32, #tpu.memory_space<hbm>>
      %dma_wait3A_60 = tpu.memref_squeeze %dma_wait3A_59 : memref<1x1x4096xf32, #tpu.memory_space<hbm>> -> memref<4096xf32, #tpu.memory_space<hbm>>
      %dma_wait3A_61 = arith.constant 0 : i32
      %dma_wait3A_62 = tpu.memref_slice %arg5[%select_n3A, %select_n3A_30, %dma_wait3A_61] : memref<8x4x4096xf32, #tpu.memory_space<hbm>> -> memref<1x1x4096xf32, #tpu.memory_space<hbm>>
      %dma_wait3A_63 = tpu.memref_squeeze %dma_wait3A_62 : memref<1x1x4096xf32, #tpu.memory_space<hbm>> -> memref<4096xf32, #tpu.memory_space<hbm>>
      tpu.wait_dma2 semaphore(%run_scoped3A : memref<!tpu.dma_semaphore, #tpu.memory_space<semaphore_mem>>) src(%arg9 : memref<4096xf32, #tpu.memory_space<vmem>>) dst(%dma_wait3A_63 : memref<4096xf32, #tpu.memory_space<hbm>>)
      tpu.yield
    }) : () -> ()
    return
  }
}

module attributes {stable_mosaic.version = 14 : i64} {
  func.func @body(%arg0: i32, %arg1: i32, %arg2: memref<1x512x3xf32, #tpu.memory_space<vmem>>, %arg3: memref<1x3x4096xf32, #tpu.memory_space<vmem>>, %arg4: memref<1x8x128xf32, #tpu.memory_space<vmem>>, %arg5: memref<1x8x4096xf32, #tpu.memory_space<vmem>>) attributes {dimension_semantics = [#tpu.dimension_semantics<arbitrary>, #tpu.dimension_semantics<arbitrary>], iteration_bounds = array<i64: 8, 7>, scalar_prefetch = 0 : i64, scratch_operands = 0 : i64, tpu.core_type = #tpu.core_type<tc>, window_params = [{transform_indices = @transform_0, window_bounds = array<i64: 1, 512, 3>}, {transform_indices = @transform_1, window_bounds = array<i64: 1, 3, 4096>}, {transform_indices = @transform_2, window_bounds = array<i64: 1, 8, 128>}, {transform_indices = @transform_3, window_bounds = array<i64: 1, 8, 4096>}]} {
    %get3A = arith.constant 0 : index
    %get3A_0 = arith.constant 0 : index
    %get3A_1 = arith.constant 0 : index
    %get3A_2 = vector.load %arg2[%get3A, %get3A_0, %get3A_1] : memref<1x512x3xf32, #tpu.memory_space<vmem>>, vector<1x512x3xf32>
    %get3A_3 = vector.shape_cast %get3A_2 : vector<1x512x3xf32> to vector<512x3xf32>
    %get3A_4 = arith.constant 0 : index
    %get3A_5 = arith.constant 0 : index
    %get3A_6 = arith.constant 0 : index
    %get3A_7 = vector.load %arg3[%get3A_4, %get3A_5, %get3A_6] : memref<1x3x4096xf32, #tpu.memory_space<vmem>>, vector<1x3x4096xf32>
    %get3A_8 = vector.shape_cast %get3A_7 : vector<1x3x4096xf32> to vector<3x4096xf32>
    %mul3A = arith.mulf %get3A_3, %get3A_3 : vector<512x3xf32>
    %reduce_sum3A = arith.constant dense<0.000000e+00> : vector<512xf32>
    %reduce_sum3A_9 = vector.multi_reduction <add>, %mul3A, %reduce_sum3A [1] : vector<512x3xf32> to vector<512xf32>
    %mul3A_10 = arith.mulf %get3A_8, %get3A_8 : vector<3x4096xf32>
    %reduce_sum3A_11 = arith.constant dense<0.000000e+00> : vector<4096xf32>
    %reduce_sum3A_12 = vector.multi_reduction <add>, %mul3A_10, %reduce_sum3A_11 [0] : vector<3x4096xf32> to vector<4096xf32>
    %mul3A_13 = arith.constant -2.000000e+00 : f32
    %mul3A_14 = vector.broadcast %mul3A_13 : f32 to vector<512x3xf32>
    %mul3A_15 = arith.mulf %get3A_3, %mul3A_14 : vector<512x3xf32>
    %convert_element_type3A = arith.truncf %mul3A_15 : vector<512x3xf32> to vector<512x3xbf16>
    %convert_element_type3A_16 = arith.truncf %get3A_8 : vector<3x4096xf32> to vector<3x4096xbf16>
    %dot_general3A = arith.constant dense<0.000000e+00> : vector<512x4096xf32>
    %dot_general3A_17 = tpu.matmul %convert_element_type3A, %convert_element_type3A_16, %dot_general3A {dimension_numbers = #tpu.dot_dimension_numbers<[1], [0], [0], [1], [0, 0, 1, 1], [], []>, transpose_lhs_hint = false} : vector<512x3xbf16>, vector<3x4096xbf16>, vector<512x4096xf32> -> vector<512x4096xf32>
    %broadcast_in_dim3A = vector.shape_cast %reduce_sum3A_9 : vector<512xf32> to vector<512x1xf32>
    %broadcast_in_dim3A_18 = vector.shape_cast %reduce_sum3A_12 : vector<4096xf32> to vector<1x4096xf32>
    %add3A = vector.broadcast %broadcast_in_dim3A : vector<512x1xf32> to vector<512x4096xf32>
    %add3A_19 = vector.broadcast %broadcast_in_dim3A_18 : vector<1x4096xf32> to vector<512x4096xf32>
    %add3A_20 = arith.addf %add3A, %add3A_19 : vector<512x4096xf32>
    %add3A_21 = arith.addf %add3A_20, %dot_general3A_17 : vector<512x4096xf32>
    %eq3A = arith.constant 0 : i32
    %eq3A_22 = arith.cmpi eq, %arg1, %eq3A : i32
    %convert_element_type3A_23 = arith.extui %eq3A_22 : i1 to i32
    %cond3A = arith.constant 0 : i32
    %cond3A_24 = arith.cmpi ne, %convert_element_type3A_23, %cond3A : i32
    scf.if %cond3A_24 {
      %broadcast_in_dim3A_56 = arith.constant 0.000000e+00 : f32
      %broadcast_in_dim3A_57 = vector.broadcast %broadcast_in_dim3A_56 : f32 to vector<1x8x128xf32>
      %swap3A_58 = arith.constant 0 : index
      %swap3A_59 = arith.constant 0 : index
      %swap3A_60 = arith.constant 0 : index
      %swap3A_61 = vector.load %arg4[%swap3A_58, %swap3A_59, %swap3A_60] : memref<1x8x128xf32, #tpu.memory_space<vmem>>, vector<1x8x128xf32>
      tpu.vector_store %arg4[%swap3A_58, %swap3A_59, %swap3A_60], %broadcast_in_dim3A_57 {strides = array<i32>} : memref<1x8x128xf32, #tpu.memory_space<vmem>>, vector<1x8x128xf32>,
      %broadcast_in_dim3A_62 = arith.constant 3.000000e+38 : f32
      %broadcast_in_dim3A_63 = vector.broadcast %broadcast_in_dim3A_62 : f32 to vector<1x8x4096xf32>
      %swap3A_64 = arith.constant 0 : index
      %swap3A_65 = arith.constant 0 : index
      %swap3A_66 = arith.constant 0 : index
      %swap3A_67 = vector.load %arg5[%swap3A_64, %swap3A_65, %swap3A_66] : memref<1x8x4096xf32, #tpu.memory_space<vmem>>, vector<1x8x4096xf32>
      tpu.vector_store %arg5[%swap3A_64, %swap3A_65, %swap3A_66], %broadcast_in_dim3A_63 {strides = array<i32>} : memref<1x8x4096xf32, #tpu.memory_space<vmem>>, vector<1x8x4096xf32>,
    } else {
    }
    %get3A_25 = arith.constant 0 : index
    %get3A_26 = arith.constant 0 : index
    %get3A_27 = arith.constant 0 : index
    %get3A_28 = vector.load %arg4[%get3A_25, %get3A_26, %get3A_27] : memref<1x8x128xf32, #tpu.memory_space<vmem>>, vector<1x1x128xf32>
    %get3A_29 = vector.shape_cast %get3A_28 : vector<1x1x128xf32> to vector<128xf32>
    %reduce_min3A = arith.constant dense<0x7F800000> : vector<512xf32>
    %reduce_min3A_30 = vector.multi_reduction <minimumf>, %add3A_21, %reduce_min3A [1] : vector<512x4096xf32> to vector<512xf32>
    %reduce_sum3A_31 = vector.shape_cast %reduce_min3A_30 : vector<512xf32> to vector<1x512xf32>
    %reduce_sum3A_32 = arith.constant dense<0.000000e+00> : vector<1xf32>
    %reduce_sum3A_33 = vector.multi_reduction <add>, %reduce_sum3A_31, %reduce_sum3A_32 [1] : vector<1x512xf32> to vector<1xf32>
    %reduce_sum3A_34 = vector.shape_cast %reduce_sum3A_33 : vector<1xf32> to vector<1x1xf32>
    %reduce_sum3A_35 = vector.extract %reduce_sum3A_34[0, 0] : f32 from vector<1x1xf32>
    %broadcast_in_dim3A_36 = vector.broadcast %reduce_sum3A_35 : f32 to vector<128xf32>
    %add3A_37 = arith.addf %get3A_29, %broadcast_in_dim3A_36 : vector<128xf32>
    %swap3A = arith.constant 0 : index
    %swap3A_38 = arith.constant 0 : index
    %swap3A_39 = arith.constant 0 : index
    %swap3A_40 = vector.load %arg4[%swap3A, %swap3A_38, %swap3A_39] : memref<1x8x128xf32, #tpu.memory_space<vmem>>, vector<1x1x128xf32>
    %swap3A_41 = vector.shape_cast %swap3A_40 : vector<1x1x128xf32> to vector<128xf32>
    %swap3A_42 = vector.shape_cast %add3A_37 : vector<128xf32> to vector<1x1x128xf32>
    tpu.vector_store %arg4[%swap3A, %swap3A_38, %swap3A_39], %swap3A_42 {strides = array<i32>} : memref<1x8x128xf32, #tpu.memory_space<vmem>>, vector<1x1x128xf32>,
    %get3A_43 = arith.constant 0 : index
    %get3A_44 = arith.constant 0 : index
    %get3A_45 = arith.constant 0 : index
    %get3A_46 = vector.load %arg5[%get3A_43, %get3A_44, %get3A_45] : memref<1x8x4096xf32, #tpu.memory_space<vmem>>, vector<1x1x4096xf32>
    %get3A_47 = vector.shape_cast %get3A_46 : vector<1x1x4096xf32> to vector<4096xf32>
    %reduce_min3A_48 = arith.constant dense<0x7F800000> : vector<4096xf32>
    %reduce_min3A_49 = vector.multi_reduction <minimumf>, %add3A_21, %reduce_min3A_48 [0] : vector<512x4096xf32> to vector<4096xf32>
    %min3A = arith.minimumf %get3A_47, %reduce_min3A_49 : vector<4096xf32>
    %swap3A_50 = arith.constant 0 : index
    %swap3A_51 = arith.constant 0 : index
    %swap3A_52 = arith.constant 0 : index
    %swap3A_53 = vector.load %arg5[%swap3A_50, %swap3A_51, %swap3A_52] : memref<1x8x4096xf32, #tpu.memory_space<vmem>>, vector<1x1x4096xf32>
    %swap3A_54 = vector.shape_cast %swap3A_53 : vector<1x1x4096xf32> to vector<4096xf32>
    %swap3A_55 = vector.shape_cast %min3A : vector<4096xf32> to vector<1x1x4096xf32>
    tpu.vector_store %arg5[%swap3A_50, %swap3A_51, %swap3A_52], %swap3A_55 {strides = array<i32>} : memref<1x8x4096xf32, #tpu.memory_space<vmem>>, vector<1x1x4096xf32>,
    return
  }
  func.func @transform_0(%arg0: i32, %arg1: i32) -> (i32, i32, i32) {
    %add3A = arith.constant 1 : i32
    %add3A_0 = arith.addi %add3A, %arg1 : i32
    %c0_i32 = arith.constant 0 : i32
    %c0_i32_1 = arith.constant 0 : i32
    return %arg0, %add3A_0, %c0_i32 : i32, i32, i32
  }
  func.func @transform_1(%arg0: i32, %arg1: i32) -> (i32, i32, i32) {
    %c0_i32 = arith.constant 0 : i32
    %c0_i32_0 = arith.constant 0 : i32
    %c0_i32_1 = arith.constant 0 : i32
    return %arg0, %c0_i32, %c0_i32_0 : i32, i32, i32
  }
  func.func @transform_2(%arg0: i32, %arg1: i32) -> (i32, i32, i32) {
    %c0_i32 = arith.constant 0 : i32
    %c0_i32_0 = arith.constant 0 : i32
    %c0_i32_1 = arith.constant 0 : i32
    return %arg0, %c0_i32, %c0_i32_0 : i32, i32, i32
  }
  func.func @transform_3(%arg0: i32, %arg1: i32) -> (i32, i32, i32) {
    %c0_i32 = arith.constant 0 : i32
    %c0_i32_0 = arith.constant 0 : i32
    %c0_i32_1 = arith.constant 0 : i32
    return %arg0, %c0_i32, %c0_i32_0 : i32, i32, i32
  }
}

module attributes {stable_mosaic.version = 14 : i64} {
  func.func @body(%arg0: memref<4096x16xf32, #tpu.memory_space<vmem>>, %arg1: memref<8x4x4096xf32, #tpu.memory_space<vmem>>, %arg2: memref<8x8x128xf32, #tpu.memory_space<vmem>>, %arg3: memref<8x8x4096xf32, #tpu.memory_space<vmem>>, %arg4: memref<1x1xf32, #tpu.memory_space<smem>>) attributes {dimension_semantics = [], scalar_prefetch = 0 : i64, scratch_operands = 0 : i64, tpu.core_type = #tpu.core_type<tc>} {
    %get3A = arith.constant 0 : index
    %get3A_0 = arith.constant 0 : index
    %get3A_1 = vector.load %arg0[%get3A, %get3A_0] : memref<4096x16xf32, #tpu.memory_space<vmem>>, vector<4096x16xf32>
    %reduce_min3A = arith.constant dense<0x7F800000> : vector<4096xf32>
    %reduce_min3A_2 = vector.multi_reduction <minimumf>, %get3A_1, %reduce_min3A [1] : vector<4096x16xf32> to vector<4096xf32>
    %get3A_3 = arith.constant 0 : index
    %get3A_4 = arith.constant 0 : index
    %get3A_5 = arith.constant 0 : index
    %get3A_6 = vector.load %arg1[%get3A_3, %get3A_4, %get3A_5] : memref<8x4x4096xf32, #tpu.memory_space<vmem>>, vector<8x4x4096xf32>
    %reduce_min3A_7 = arith.constant dense<0x7F800000> : vector<8x4096xf32>
    %reduce_min3A_8 = vector.multi_reduction <minimumf>, %get3A_6, %reduce_min3A_7 [1] : vector<8x4x4096xf32> to vector<8x4096xf32>
    %get3A_9 = arith.constant 0 : index
    %get3A_10 = arith.constant 0 : index
    %get3A_11 = arith.constant 0 : index
    %get3A_12 = vector.load %arg3[%get3A_9, %get3A_10, %get3A_11] : memref<8x8x4096xf32, #tpu.memory_space<vmem>>, vector<8x1x4096xf32>
    %get3A_13 = vector.shape_cast %get3A_12 : vector<8x1x4096xf32> to vector<8x4096xf32>
    %min3A = arith.minimumf %reduce_min3A_8, %get3A_13 : vector<8x4096xf32>
    %reduce_sum3A = vector.shape_cast %reduce_min3A_2 : vector<4096xf32> to vector<1x4096xf32>
    %reduce_sum3A_14 = arith.constant dense<0.000000e+00> : vector<1xf32>
    %reduce_sum3A_15 = vector.multi_reduction <add>, %reduce_sum3A, %reduce_sum3A_14 [1] : vector<1x4096xf32> to vector<1xf32>
    %reduce_sum3A_16 = vector.shape_cast %reduce_sum3A_15 : vector<1xf32> to vector<1x1xf32>
    %reduce_sum3A_17 = vector.extract %reduce_sum3A_16[0, 0] : f32 from vector<1x1xf32>
    %reduce_sum3A_18 = vector.shape_cast %min3A : vector<8x4096xf32> to vector<1x8x4096xf32>
    %reduce_sum3A_19 = arith.constant dense<0.000000e+00> : vector<1xf32>
    %reduce_sum3A_20 = vector.multi_reduction <add>, %reduce_sum3A_18, %reduce_sum3A_19 [1, 2] : vector<1x8x4096xf32> to vector<1xf32>
    %reduce_sum3A_21 = vector.shape_cast %reduce_sum3A_20 : vector<1xf32> to vector<1x1x1xf32>
    %reduce_sum3A_22 = vector.extract %reduce_sum3A_21[0, 0, 0] : f32 from vector<1x1x1xf32>
    %add3A = arith.addf %reduce_sum3A_17, %reduce_sum3A_22 : f32
    %get3A_23 = arith.constant 0 : index
    %get3A_24 = arith.constant 0 : index
    %get3A_25 = arith.constant 0 : index
    %get3A_26 = vector.load %arg2[%get3A_23, %get3A_24, %get3A_25] : memref<8x8x128xf32, #tpu.memory_space<vmem>>, vector<8x1x1xf32>
    %get3A_27 = vector.shape_cast %get3A_26 : vector<8x1x1xf32> to vector<8xf32>
    %reduce_sum3A_28 = vector.shape_cast %get3A_27 : vector<8xf32> to vector<1x8xf32>
    %reduce_sum3A_29 = arith.constant dense<0.000000e+00> : vector<1xf32>
    %reduce_sum3A_30 = vector.multi_reduction <add>, %reduce_sum3A_28, %reduce_sum3A_29 [1] : vector<1x8xf32> to vector<1xf32>
    %reduce_sum3A_31 = vector.shape_cast %reduce_sum3A_30 : vector<1xf32> to vector<1x1xf32>
    %reduce_sum3A_32 = vector.extract %reduce_sum3A_31[0, 0] : f32 from vector<1x1xf32>
    %add3A_33 = arith.addf %add3A, %reduce_sum3A_32 : f32
    %div3A = arith.constant 3.276800e+04 : f32
    %div3A_34 = arith.divf %add3A_33, %div3A : f32
    %swap3A = arith.constant 0 : index
    %swap3A_35 = arith.constant 0 : index
    %swap3A_36 = memref.load %arg4[%swap3A, %swap3A_35] : memref<1x1xf32, #tpu.memory_space<smem>>
    memref.store %div3A_34, %arg4[%swap3A, %swap3A_35] : memref<1x1xf32, #tpu.memory_space<smem>>
    return
  }
}

</mosaic_0001>

<sc_bundles>
// kernel: kernel.5.cloned.1.call-start
scs
__scs_entry_jumppad:
0x0: {  	(pc) =	sbr.rel $0x88, $3  }
0x1: {  	(tag) =	ssettag $0x0;
	lr =	simm.s32 $0x1  }
0x2: {  	[smem:$0x3F9F] =	sst lr;
	_ =	strace $0xD0000000  }
0x3: {  	_ = 	snop  }
0x4: {  	_ = 	snop  }
0x5: {  	_ = 	snop  }
0x6: {  	_ = 	snop  }
0x7: {  	_ = 	snop  }
__scs_overlays_trampoline_lowered:
0x8: {  	[smem:$0x3FAE] =	sst s0  }
0x9: {  	[smem:$0x3FAF] =	sst s1  }
0xa: {  	[smem:$0x3FB0] =	sst s2  }
0xb: {  	[smem:$0x3FB1] =	sst s3  }
0xc: {  	[smem:$0x3FB2] =	sst s4  }
0xd: {  	[smem:$0x3FB3] =	sst s5  }
0xe: {  	[smem:$0x3FB4] =	sst s6  }
0xf: {  	[smem:$0x3FB5] =	sst s7  }
0x10: {  	[smem:$0x3FB6] =	sst s8  }
0x11: {  	[smem:$0x3FB7] =	sst s9;
	s0 =	simm.s32 @!p0 $0x0  }
0x12: {  	s1 =	sld [smem:$0x3F9D];
	s0 =	simm.s32 @p0 $0x1  }
0x13: {  	[smem:$0x3FB8] =	sst s0;
	s0 =	simm.s32 @!p1 $0x0  }
0x14: {  	s2 =	sld [smem:$0x3F9C];
	s0 =	simm.s32 @p1 $0x1  }
0x15: {  	[smem:$0x3FB9] =	sst s0;
	s0 =	simm.s32 @!p2 $0x0  }
0x16: {  	s3 =	sld [smem:$0x3FDB];
	s0 =	simm.s32 @p2 $0x1  }
0x17: {  	s4 =	simm.s32 $0x1BF5;
	[smem:$0x3FBB] =	sst s0  }
0x18: {  	s0 =	sld [smem:$0x3F9E];
	_ =	swait.ge [sflag:s4], $0x0  }
0x19: {  	s7 =	sld [smem:$0x3F9F]  }
0x1a: {  	s8 =	sadd.s32 $0xFFFFE003, lr  }
0x1b: {  	s9 =	sadd.s32 $0xFFFFFEF7, lr;
	s5 =	simm.s32 $0xFFFFFFFF;
	p2 =	slt.u32 s8, $0xFFFFF086  }
0x1c: {  	p1 =	slt.u32 s9, $0xF7A;
	s5 =	simm.s32 @!p2 $0x0  }
0x1d: {  	s5 =	simm.s32 @p1 $0x1;
	p0 =	seq.s32 s7, s2  }
0x1e: {  	s7 =	smul.u32 @!p0 $0xF7A, s2;
	p2 =	seq.s32 @!p0 s5, $0x0  }
0x1f: {  	s9 =	smul.u32 $0xF7A, s1;
	s8 =	simm.s32 @!p0 $0x1BF5;
	p2 =	por !p2, p0  }
0x20: {  	[sflag:s8] =	ssyncset.s32 @!p0 $0xFFFFF086;
	s6 =	sadd.s32 @!p0 s3, s7;
	s7 =	simm.s32 @!p0 $0x108  }
0x21: {  	s3 =	sadd.s32 s3, s9;
	s6 =	sadd.s32 @!p0 $0x88, s6;
	s7 =	simm.s32 @p2 $0x1082  }
0x22: {  	[simem:s7], [sflag:s8] =	dma.local @!p0 [hbm:s6], $0xF7A  }
0x23: {  	s9 =	sor.u32 $0xD0000000, s2;
	s6 =	simm.s32 $0x108;
	_ =	swait.ge @!p0 [sflag:s8], $0x0  }
0x24: {  	s3 =	sadd.s32 $0x88, s3;
	s6 =	simm.s32 @!p1 $0x1082;
	[sflag:s4] =	ssyncset.s32 $0xFFFFF086  }
0x25: {  	[simem:s6], [sflag:s4] =	dma.local [hbm:s3], $0xF7A  }
0x26: {  	[smem:$0x3F9F] =	sst s1;
	(tag) =	ssettag s2;
	_ =	strace s9  }
0x27: {  	s1 =	sld [smem:$0x3FAF]  }
0x28: {  	s2 =	sld [smem:$0x3FB0]  }
0x29: {  	s4 =	sld [smem:$0x3FB2]  }
0x2a: {  	p0 =	seq.s32 s5, $0x0;
	s5 =	sld [smem:$0x3FB3]  }
0x2b: {  	s6 =	sld [smem:$0x3FB4]  }
0x2c: {  	s7 =	sld [smem:$0x3FB5]  }
0x2d: {  	s3 =	simm.s32 $0x108;
	s8 =	sld [smem:$0x3FB6]  }
0x2e: {  	s3 =	simm.s32 @!p0 $0x1082;
	s9 =	sld [smem:$0x3FB7]  }
0x2f: {  	lr =	sadd.s32 s0, s3;
	s0 =	sld [smem:$0x3FAE]  }
0x30: {  	s3 =	sld [smem:$0x3FB1]  }
0x31: {  	[smem:$0x3FBA] =	sst s10  }
0x32: {  	s10 =	sld [smem:$0x3FB8];
	_ =	sdelay $0x3  }
0x33: {  	p0 =	seq.s32 s10, $0x1;
	s10 =	sld [smem:$0x3FBA];
	_ =	sdelay $0x3  }
0x34: {  	[smem:$0x3FBA] =	sst s10  }
0x35: {  	s10 =	sld [smem:$0x3FB9];
	_ =	sdelay $0x3  }
0x36: {  	p1 =	seq.s32 s10, $0x1;
	s10 =	sld [smem:$0x3FBA];
	_ =	sdelay $0x3  }
0x37: {  	[smem:$0x3FBA] =	sst s10  }
0x38: {  	s10 =	sld [smem:$0x3FBB]  }
0x39: {  	_ = 	snop;
	(pc) =	sbr.ind lr, $3  }
0x3a: {  	_ = 	snop  }
0x3b: {  	_ = 	snop  }
0x3c: {  	p2 =	seq.s32 s10, $0x1;
	s10 =	sld [smem:$0x3FBA]  }
0x3d: {  	_ =	shalt  }
0x3e: {  	_ =	shalt  }
0x3f: {  	_ =	shalt  }
0x40: {  	_ =	shalt  }
0x41: {  	_ =	shalt  }
0x42: {  	_ =	shalt  }
0x43: {  	_ =	shalt  }
0x44: {  	_ =	shalt  }
0x45: {  	_ =	shalt  }
0x46: {  	_ =	shalt  }
0x47: {  	_ =	shalt  }
0x48: {  	_ =	shalt  }
0x49: {  	_ =	shalt  }
0x4a: {  	_ =	shalt  }
0x4b: {  	_ =	shalt  }
0x4c: {  	_ =	shalt  }
0x4d: {  	_ =	shalt  }
0x4e: {  	_ =	shalt  }
0x4f: {  	_ =	shalt  }
0x50: {  	_ =	shalt  }
0x51: {  	_ =	shalt  }
0x52: {  	_ =	shalt  }
0x53: {  	_ =	shalt  }
0x54: {  	_ =	shalt  }
0x55: {  	_ =	shalt  }
0x56: {  	_ =	shalt  }
0x57: {  	_ =	shalt  }
0x58: {  	_ =	shalt  }
0x59: {  	_ =	shalt  }
0x5a: {  	_ =	shalt  }
0x5b: {  	_ =	shalt  }
0x5c: {  	_ =	shalt  }
0x5d: {  	_ =	shalt  }
0x5e: {  	_ =	shalt  }
0x5f: {  	_ =	shalt  }
0x60: {  	_ =	shalt  }
0x61: {  	_ =	shalt  }
0x62: {  	_ =	shalt  }
0x63: {  	_ =	shalt  }
0x64: {  	_ =	shalt  }
0x65: {  	_ =	shalt  }
0x66: {  	_ =	shalt  }
0x67: {  	_ =	shalt  }
0x68: {  	_ =	shalt  }
0x69: {  	_ =	shalt  }
0x6a: {  	_ =	shalt  }
0x6b: {  	_ =	shalt  }
0x6c: {  	_ =	shalt  }
0x6d: {  	_ =	shalt  }
0x6e: {  	_ =	shalt  }
0x6f: {  	_ =	shalt  }
0x70: {  	_ =	shalt  }
0x71: {  	_ =	shalt  }
0x72: {  	_ =	shalt  }
0x73: {  	_ =	shalt  }
0x74: {  	_ =	shalt  }
0x75: {  	_ =	shalt  }
0x76: {  	_ =	shalt  }
0x77: {  	_ =	shalt  }
0x78: {  	_ =	shalt  }
0x79: {  	_ =	shalt  }
0x7a: {  	_ =	shalt  }
0x7b: {  	_ =	shalt  }
0x7c: {  	_ =	shalt  }
0x7d: {  	_ =	shalt  }
0x7e: {  	_ =	shalt  }
0x7f: {  	_ =	shalt  }
0x80: {  	_ =	shalt  }
0x81: {  	_ =	shalt  }
0x82: {  	_ =	shalt  }
0x83: {  	_ =	shalt  }
0x84: {  	_ =	shalt  }
0x85: {  	_ =	shalt  }
0x86: {  	_ =	shalt  }
0x87: {  	_ =	shalt  }
.Lfunc_end0:
.L_simem_size_0:
called_computation_lowered:
.L_overlay_start_0:
0x88: {  	s2 =	sld [smem:$0x3FD9]  }
0x89: {  	s3 =	sld [smem:$0x3FFE];
	_ =	sdelay $0x1  }
0x8a: {  	s1 =	srdreg.scid  }
0x8b: {  	s0 =	sand.u32 $0x1, s1  }
0x8c: {  	s17 =	sshll.u32 s0, $0xA;
	s2 =	sadd.s32 s3, s2  }
0x8d: {  	s2 =	sadd.s32 s2, s17  }
0x8e: {  	[smem:$0x3FC6] =	sst s2  }
0x8f: {  	_ = 	snop  }
0x90: {  	s2 =	sld [smem:$0x3FC9];
	(tm) =	ssettm $0x1  }
0x91: {  	s18 =	sld [smem:$0x3FFB];
	_ =	sdelay $0x3  }
0x92: {  	_ =	strace s18  }
0x93: {  	s3 =	sld [smem:$0x3FFC];
	_ =	sdelay $0x3  }
0x94: {  	_ =	strace s3  }
0x95: {  	s3 =	sld [smem:$0x3FFD];
	_ =	sdelay $0x3  }
0x96: {  	_ =	strace s3  }
0x97: {  	_ =	strace $0x8FFFFFFF  }
0x98: {  	s19 =	sld [smem:$0x3FDB];
	_ =	sdelay $0x1  }
0x99: {  	s4 =	simm.s32 $_scs_section_size  }
0x9a: {  	s5 =	simm.s32 $_size__tile_overlayer_lowered;
	s6 =	simm.s32 $_tile_overlayer_lowered  }
0x9b: {  	s22 =	simm.s32 $0x1BFF;
	s21 =	sshll.u32 s6, $0x1;
	s3 =	sadd.s32 s4, s19  }
0x9c: {  	s7 =	simm.s32 $0x0;
	s20 =	sshll.u32 s5, $0x1;
	s5 =	sadd.s32 s21, s3  }
0x9d: {  	[timem:s7], [sflag:s22] =	dma.local [hbm:s5], s20  }
0x9e: {  	_ =	swait.ge [sflag:s22], s20  }
0x9f: {  	s4 =	ssub.s32 $0x0, s20;
	[sflag:s22] =	ssyncset.done $0x0  }
0xa0: {  	[sflag:s22] =	ssyncadd.s32 s4;
	_ =	sdelay $0x1  }
0xa1: {  	s23 =	simm.s32 $0x1B8B  }
0xa2: {  	_ =	swait.ge [sflag:s23], $0x1  }
0xa3: {  	[sflag:s23] =	ssyncset.done $0x0  }
0xa4: {  	s25 =	simm.s32 $0x1B8E;
	s24 =	sld [smem:$0x3FFE];
	[sflag:s23] =	ssyncadd.s32 $0xFFFFFFFF  }
0xa5: {  	s26 =	simm.s32 $execute0_lowered;
	[smem:$0x3FD2] =	sst s25  }
0xa6: {  	s5 =	sshll.u32 s26, $0x1;
	_ =	strace $0x80000046;
	[dreg:$0x1] =	wrdreg $0xFFFFFFFF  }
0xa7: {  	s28 =	simm.s32 $_size_execute0_lowered;
	s3 =	sadd.s32 s3, s5;
	[dreg:$0x0] =	wrdreg $0x0  }
0xa8: {  	s5 =	sshll.u32 s28, $0x1;
	[dreg:$0x2] =	wrdreg s3  }
0xa9: {  	[dreg:$0x3] =	wrdreg s5  }
0xaa: {  	[dreg:$0x4] =	wrdreg $0xC0  }
0xab: {  	_ =	task [dreg:s7], $0x5FFFF  }
0xac: {  	[dreg:$0x1] =	wrdreg $0xFFFFFFFF  }
0xad: {  	[dreg:$0x0] =	wrdreg $0x60  }
0xae: {  	[dreg:$0x2] =	wrdreg s2  }
0xaf: {  	[dreg:$0x3] =	wrdreg s24  }
0xb0: {  	[dreg:$0x4] =	wrdreg $0x9  }
0xb1: {  	_ =	task.clear_ibuf [dreg:s7], $0x5FFFF;
	_ =	strace $0x90000046  }
0xb2: {  	s29 =	simm.s32 $0x9;
	_ =	strace $0x80000048  }
0xb3: {  	_ =	swait.ge [sflag:s29], $0x1  }
0xb4: {  	[sflag:s29] =	ssyncadd.s32 $0xFFFFFFFF  }
0xb5: {  	_ =	strace $0x90000048  }
0xb6: {  	_ =	sfence  }
0xb7: {  	s30 =	sld [smem:$0x0];
	_ =	sdelay $0x2  }
0xb8: {  	s31 =	sshll.u32 s1, $0xD;
	s1 =	sshrl.u32 s1, $0x2  }
0xb9: {  	s3 =	sand.u32 $0x4000, s31;
	s1 =	sadd.s32 s1, s30  }
0xba: {  	s0 =	sor.u32 s3, s0;
	s1 =	sshll.u32 s1, $0x11  }
0xbb: {  	s0 =	sor.u32 s1, s0  }
0xbc: {  	s0 =	sadd.s32 $0x8F2B, s0  }
0xbd: {  	[sflag:s0] =	ssyncadd.remote.s32 $0x1  }
0xbe: {  	_ =	sfence.sel $0xFFFF  }
0xbf: {  	[dreg:$0x0] =	wrdreg $0xFFFFFFFF;
	(pc) =	sbr.abs _section_cstart, $3  }
0xc0: {  	[dreg:$0x1] =	wrdreg $0xFFFFFFFF  }
0xc1: {  	_ =	task.clear_ibuf [dreg:s7], $0x2FFFF;
	_ =	strace $0x9FFFFFFF  }
0xc2: {  	(tm) =	ssettm $0x7FFFFFFF  }
0xc3: {  	_ =	shalt  }
tec
execute0_lowered:
.L_overlay_start_1:
0x0: {  	(tag) =	ssettag $0x1  }
0x1: {  	s0 =	srdreg.scid;
	s7 =	rddreg [dreg:$0x0]  }
0x2: {  	s8 =	rddreg [dreg:$0x1];
	s16 =	simm.s32 $0x4180;
	s4 =	sand.u32 $0x1, s0  }
0x3: {  	s17 =	simm.s32 $0x0;
	s0 =	stileid.u32;
	s1 =	sshll.u32 s4, $0x4  }
0x4: {  	s6 =	sand.u32 $0x3, s0;
	s13 =	sshll.u32 s0, $0x4;
	s4 =	ssub.s32 $0x2, s4  }
0x5: {  	s5 =	sor.u32 s0, s1;
	p1 =	sne.s32 s6, $0x0;
	s1 =	simm.s32 $0x1  }
0x6: {  	s14 =	sshll.u32 s6, $0x7;
	s13 =	sand.u32 $0x70, s13;
	s6 =	sshll.u32 s6, $0xA  }
0x7: {  	s25 =	sshrl.u32 s4, $0x1;
	p0 =	seq.s32 s5, $0x0;
	s2 =	sshrl.u32 s5, $0x2  }
0x8: {  	s13 =	sadd.s32 s13, s8;
	s5 =	sshll.u32 s5, $0x8;
	p0 =	por !p1, !p0  }
0x9: {  	s26 =	ssub.s32 s4, s25;
	s30 =	sand.u32 $0x1800, s5;
	p0 =	por !p0, !p0  }
0xa: {  	s31 =	sadd.s32 s30, s13;
	s13 =	simm.s32 $0x400;
	s1 =	simm.s32 @!p0 $0x0  }
0xb: {  	s9 =	ssub.s32 s2, s1;
	s1 =	rddreg [dreg:$0x2];
	s2 =	simm.s32 $0x0  }
0xc: {  	s3 =	sshrl.u32 s9, $0x3;
	s23 =	sshll.u32 s9, $0x7;
	[smem:$0x7FF] =	sst s2  }
0xd: {  	s9 =	sshll.u32 s9, $0xE;
	s10 =	smul.u32 $0x18000, s3;
	s11 =	sand.u32 $0x380, s23  }
0xe: {  	_ =	strace $0x80000047;
	s3 =	simm.s32 $0x1;
	s9 =	sor.u32 s14, s9  }
0xf: {  	s14 =	simm.s32 $0x5180;
	s9 =	sshrl.u32 s9, $0x3;
	s12 =	sor.u32 s10, s11  }
0x10: {  	s9 =	sadd.s32 s9, s8;
	s15 =	sshrl.u32 s12, $0x3;
	s12 =	sor.u32 s6, s12  }
0x11: {  	s6 =	sor.u32 s6, s10;
	s9 =	sadd.s32 $0x5C00, s9;
	s10 =	smax.u32 s26, $0x1  }
0x12: {  	s24 =	sadd.s32 s15, s8;
	s28 =	sshrl.u32 s12, $0x3;
	s6 =	sor.u32 s11, s6  }
0x13: {  	s11 =	simm.s32 $0x80;
	s12 =	simm.s32 $0x100;
	s29 =	sadd.s32 $0x8000, s6  }
0x14: {  	s15 =	simm.s32 $0x200;
	s6 =	sadd.s32 $0x10000, s6;
	s8 =	sshrl.u32 s29, $0x3  }
0x15: {  	s4 =	sadd.s32 s7, s28;
	s6 =	sshrl.u32 s6, $0x3;
	s5 =	sadd.s32 s7, s8  }
0x16: {  	v0 =	vimm.f32 $3.000000010e+38;
	s6 =	sadd.s32 s7, s6;
	s7 =	sadd.s32 $0xC00, s24;
	s8 =	sadd.s32 $0x3C00, s31  }
.LBB2_1:
0x17: {  	[tilespmem:s2], [sflag:$0x1] =	stream.linear.gather [hbm4b:s4+s2], $0x80, $0x38;
	[tilespmem:$0x5980] =	vst v63  }
0x18: {  	_ =	swait.ge [sflag:s3], $0x80  }
0x19: {  	[sflag:s3] =	ssyncset.done $0x0  }
0x1a: {  	[sflag:s3] =	ssyncadd.s32 $0xFFFFFF80  }
0x1b: {  	[tilespmem:s11], [sflag:$0x1] =	stream.linear.gather [hbm4b:s5+s2], $0x80, $0x38;
	[tilespmem:$0x5980] =	vst v63  }
0x1c: {  	_ =	swait.ge [sflag:s3], $0x80  }
0x1d: {  	[sflag:s3] =	ssyncset.done $0x0  }
0x1e: {  	[sflag:s3] =	ssyncadd.s32 $0xFFFFFF80  }
0x1f: {  	[tilespmem:s12], [sflag:$0x1] =	stream.linear.gather [hbm4b:s6+s2], $0x80, $0x38;
	[tilespmem:$0x5980] =	vst v63  }
0x20: {  	_ =	swait.ge [sflag:s3], $0x80  }
0x21: {  	[sflag:s3] =	ssyncset.done $0x0  }
0x22: {  	s19 =	simm.s32 $0x180;
	[sflag:s3] =	ssyncadd.s32 $0xFFFFFF80  }
0x23: {  	[tilespmem:s19], [sflag:$0x1] =	stream.strided.gather [hbm4b:s7+s11], $0x3000, s13, s11, $0x38;
	[tilespmem:$0x5980] =	vst v63  }
0x24: {  	_ =	swait.ge [sflag:s3], $0x3000  }
0x25: {  	[sflag:s3] =	ssyncset.done $0x0  }
0x26: {  	[sflag:s3] =	ssyncadd.s32 $0xFFFFD000  }
0x27: {  	s20 =	sand.u32 $0xFF0, s2;
	v1 =	vld [tilespmem:s19+$0x0]  }
0x28: {  	v2 =	vld [tilespmem:s20+$0x1180];
	_ =	sdelay $0x1  }
0x29: {  	v3 =	vld [tilespmem:s20+$0x2180];
	_ =	sdelay $0x2  }
0x2a: {  	v4 =	vmul.f32 v1, v1;
	v5 =	vmul.f32 v2, v2  }
0x2b: {  	v6 =	vmul.f32 $6.553700000e+04, v1  }
0x2c: {  	v7 =	vmul.f32 $6.553700000e+04, v2;
	v63 =	vmul.f32 v3, v3;
	v4 =	vadd.f32 v5, v4  }
0x2d: {  	v1 =	vsub.f32 v6, v1  }
0x2e: {  	v8 =	vmul.f32 $6.553700000e+04, v3;
	v2 =	vsub.f32 v7, v2;
	v4 =	vadd.f32 v63, v4  }
0x2f: {  	s21 =	simm.s32 $0x3180;
	v1 =	vsub.f32 v6, v1  }
0x30: {  	v3 =	vsub.f32 v8, v3;
	v2 =	vsub.f32 v7, v2;
	[tilespmem:s21+$0x0] =	vst v4  }
0x31: {  	[tilespmem:s19+$0x0] =	vst v1  }
0x32: {  	s22 =	simm.s32 $0x10;
	s24 =	simm.s32 $0x4180;
	s23 =	simm.s32 $0x4180;
	v1 =	vsub.f32 v8, v3;
	[tilespmem:s20+$0x1180] =	vst v2  }
.LBB2_2:
0x33: {  	s19 =	sadd.s32 $0x10, s19  }
0x34: {  	[tilespmem:s20+$0x2180] =	vst v1;
	s21 =	sadd.s32 $0x10, s21;
	s24 =	sadd.s32 $0x10, s24;
	s18 =	smov.u32 s22  }
0x35: {  	p0 =	sne.s32 s22, $0xFF0;
	s22 =	sadd.s32 $0x10, s22;
	[tilespmem:s23+$0x0] =	vst v0;
	s23 =	smov.u32 s24  }
0x36: {  	s20 =	sand.u32 $0xFF0, s18;
	v1 =	vld [tilespmem:s19+$0x0]  }
0x37: {  	v2 =	vld [tilespmem:s20+$0x1180];
	_ =	sdelay $0x1  }
0x38: {  	v3 =	vld [tilespmem:s20+$0x2180];
	_ =	sdelay $0x1  }
0x39: {  	v4 =	vmul.f32 $6.553700000e+04, v1  }
0x3a: {  	v5 =	vmul.f32 v1, v1;
	v6 =	vmul.f32 v2, v2  }
0x3b: {  	v7 =	vmul.f32 $6.553700000e+04, v2;
	v1 =	vsub.f32 v4, v1  }
0x3c: {  	v5 =	vadd.f32 v6, v5;
	v6 =	vmul.f32 v3, v3;
	v8 =	vmul.f32 $6.553700000e+04, v3  }
0x3d: {  	v4 =	vsub.f32 v4, v1;
	v1 =	vsub.f32 v7, v2  }
.Ltmp0:
0x3e: {  	v2 =	vadd.f32 v6, v5;
	v3 =	vsub.f32 v8, v3;
	(pc) =	sbr.rel @p0 .LBB2_2-.Ltmp0, $4  }
0x3f: {  	v5 =	vsub.f32 v7, v1  }
0x40: {  	[tilespmem:s21+$0x0] =	vst v2;
	v1 =	vsub.f32 v8, v3  }
0x41: {  	[tilespmem:s19+$0x0] =	vst v4  }
0x42: {  	s18 =	simm.s32 $0x0;
	[tilespmem:s20+$0x1180] =	vst v5  }
0x43: {  	[tilespmem:s20+$0x2180] =	vst v1  }
0x44: {  	s19 =	simm.s32 $0x0;
	[tilespmem:s23+$0x0] =	vst v0  }
.LBB2_4:
0x45: {  	s20 =	sshll.u32 s19, $0x4  }
0x46: {  	v3 =	vld [tilespmem:s20+$0x0]  }
0x47: {  	v5 =	vld [tilespmem:s20+$0x80]  }
0x48: {  	v6 =	vld [tilespmem:s20+$0x100];
	_ =	sdelay $0x3  }
0x49: {  	v1 =	vmul.f32 $6.553700000e+04, v3  }
0x4a: {  	v2 =	vmul.f32 $6.553700000e+04, v5;
	v4 =	vmul.f32 $6.553700000e+04, v6  }
0x4b: {  	v7 =	vsub.f32 v1, v3  }
0x4c: {  	v8 =	vsub.f32 v2, v5;
	v9 =	vsub.f32 v4, v6  }
0x4d: {  	v1 =	vsub.f32 v1, v7  }
0x4e: {  	v3 =	vmul.f32 v3, v3;
	v2 =	vsub.f32 v2, v8;
	v7 =	vsub.f32 v4, v9  }
0x4f: {  	v5 =	vmul.f32 v5, v5;
	v4 =	vmul.f32 $-2.000000000e+00, v1  }
0x50: {  	v2 =	vmul.f32 $-2.000000000e+00, v2;
	v1 =	vmul.f32 $-2.000000000e+00, v7  }
0x51: {  	v7 =	vmul.f32 v6, v6;
	v11 =	vbroadcast v4, $0x0  }
0x52: {  	v6 =	vbroadcast v4, $0x1;
	v12 =	vbroadcast v4, $0x2  }
0x53: {  	s31 =	sand.u32 $0xFE0, s18;
	v3 =	vadd.f32 v5, v3;
	v5 =	vbroadcast v4, $0x3;
	v15 =	vbroadcast v2, $0x0  }
0x54: {  	s21 =	simm.s32 $0x180;
	v21 =	vld [tilespmem:s31+$0x1180];
	v16 =	vbroadcast v2, $0x1;
	v13 =	vbroadcast v2, $0x2  }
0x55: {  	v23 =	vld [tilespmem:s21+$0x0];
	v3 =	vadd.f32 v7, v3;
	v7 =	vbroadcast v2, $0x3;
	v19 =	vbroadcast v1, $0x0  }
0x56: {  	s22 =	simm.s32 $0x3190;
	v17 =	vbroadcast v1, $0x1;
	v14 =	vbroadcast v1, $0x2  }
0x57: {  	v24 =	vld [tilespmem:s22+$0xFFFFFFF0];
	v8 =	vbroadcast v1, $0x3;
	v9 =	vbroadcast v3, $0x0  }
0x58: {  	v10 =	vbroadcast v3, $0x1;
	v18 =	vbroadcast v3, $0x2  }
0x59: {  	v26 =	vld [tilespmem:s31+$0x2180];
	v20 =	vbroadcast v3, $0x3;
	v35 =	vmul.f32 v21, v16  }
0x5a: {  	v27 =	vmul.f32 v23, v11;
	v29 =	vmul.f32 v21, v13  }
0x5b: {  	v22 =	vimm.f32 $3.000000010e+38;
	v28 =	vmul.f32 v21, v15;
	v31 =	vmul.f32 v23, v12  }
0x5c: {  	v32 =	vmul.f32 v23, v5;
	v21 =	vmul.f32 v21, v7;
	v25 =	vadd.f32 v24, v20  }
0x5d: {  	v23 =	vmul.f32 v23, v6;
	v30 =	vadd.f32 v28, v27;
	v27 =	vadd.f32 v24, v10  }
0x5e: {  	v34 =	vmul.f32 v26, v19;
	v28 =	vadd.f32 v24, v18;
	v32 =	vadd.f32 v21, v32  }
0x5f: {  	s25 =	simm.s32 $0x4190;
	s26 =	simm.s32 $0x20;
	v36 =	vmul.f32 v26, v17;
	v33 =	vadd.f32 v24, v9;
	v35 =	vadd.f32 v35, v23  }
0x60: {  	s23 =	simm.s32 $0x180;
	s24 =	simm.s32 $0x3190;
	s20 =	simm.s32 $0x4190;
	v24 =	vimm.f32 $3.000000010e+38;
	v23 =	vimm.f32 $3.000000010e+38;
	v21 =	vimm.f32 $3.000000010e+38  }
.LBB2_5:
0x61: {  	v29 =	vadd.f32 v29, v31;
	v31 =	vmul.f32 v26, v14;
	v26 =	vmul.f32 v26, v8;
	s21 =	sadd.s32 $0x20, s21;
	s22 =	sadd.s32 $0x20, s22;
	s25 =	sadd.s32 $0x20, s25  }
0x62: {  	p0 =	sne.s32 s26, $0xFE0;
	v30 =	vadd.f32 v34, v30;
	s28 =	smov.u32 s26;
	s26 =	sadd.s32 $0x20, s26;
	v34 =	vadd.f32 v36, v35  }
0x63: {  	v29 =	vadd.f32 v31, v29;
	v26 =	vadd.f32 v26, v32  }
0x64: {  	v30 =	vadd.f32 v30, v33;
	v27 =	vadd.f32 v34, v27;
	v31 =	vld [tilespmem:s20+$0xFFFFFFF0]  }
0x65: {  	v28 =	vadd.f32 v29, v28;
	v25 =	vadd.f32 v26, v25  }
0x66: {  	v26 =	vmin.f32 v30, v27  }
0x67: {  	v29 =	vmin.f32 v28, v25  }
0x68: {  	v26 =	vmin.f32 v26, v29  }
0x69: {  	v26 =	vmin.f32 v31, v26  }
0x6a: {  	[tilespmem:s20+$0xFFFFFFF0] =	vst v26  }
0x6b: {  	s28 =	sand.u32 $0xFE0, s28;
	v26 =	vld [tilespmem:s23+$0x10]  }
0x6c: {  	v29 =	vld [tilespmem:s23+$0x1010];
	_ =	sdelay $0x1  }
0x6d: {  	v31 =	vld [tilespmem:s23+$0x2010];
	s23 =	smov.u32 s21;
	_ =	sdelay $0x1  }
0x6e: {  	v32 =	vld [tilespmem:s24+$0x0];
	v33 =	vmul.f32 v26, v11;
	v34 =	vmul.f32 v26, v12;
	s24 =	smov.u32 s22  }
0x6f: {  	v36 =	vmul.f32 v26, v5;
	v35 =	vmul.f32 v29, v15  }
0x70: {  	v26 =	vmul.f32 v26, v6;
	v37 =	vmul.f32 v29, v16  }
0x71: {  	v38 =	vmul.f32 v29, v13;
	v33 =	vadd.f32 v35, v33;
	v35 =	vmul.f32 v31, v19  }
0x72: {  	v26 =	vadd.f32 v37, v26;
	v37 =	vmul.f32 v31, v17  }
0x73: {  	v29 =	vmul.f32 v29, v7;
	v34 =	vadd.f32 v38, v34;
	v33 =	vadd.f32 v35, v33  }
0x74: {  	v26 =	vadd.f32 v37, v26;
	v35 =	vmul.f32 v31, v14;
	v37 =	vadd.f32 v32, v20  }
0x75: {  	v29 =	vadd.f32 v29, v36;
	v38 =	vadd.f32 v32, v18;
	v31 =	vmul.f32 v31, v8  }
0x76: {  	v36 =	vadd.f32 v32, v9;
	v34 =	vadd.f32 v35, v34  }
0x77: {  	v22 =	vmin.f32 v22, v27;
	v27 =	vadd.f32 v32, v10;
	v29 =	vadd.f32 v31, v29  }
0x78: {  	v24 =	vmin.f32 v24, v30;
	v30 =	vadd.f32 v33, v36;
	v31 =	vadd.f32 v34, v38;
	v32 =	vld [tilespmem:s20+$0x0]  }
0x79: {  	v23 =	vmin.f32 v23, v28;
	v26 =	vadd.f32 v26, v27;
	v27 =	vadd.f32 v29, v37  }
0x7a: {  	v21 =	vmin.f32 v21, v25;
	v24 =	vmin.f32 v24, v30;
	v23 =	vmin.f32 v23, v31  }
0x7b: {  	v25 =	vmin.f32 v30, v26;
	v21 =	vmin.f32 v21, v27;
	v27 =	vmin.f32 v31, v27  }
0x7c: {  	v22 =	vmin.f32 v22, v26;
	v25 =	vmin.f32 v25, v27  }
0x7d: {  	v25 =	vmin.f32 v32, v25  }
0x7e: {  	[tilespmem:s20+$0x0] =	vst v25;
	s20 =	smov.u32 s25  }
0x7f: {  	v27 =	vld [tilespmem:s28+$0x1180]  }
0x80: {  	v28 =	vld [tilespmem:s21+$0x0]  }
0x81: {  	v26 =	vld [tilespmem:s28+$0x2180]  }
0x82: {  	v33 =	vld [tilespmem:s22+$0xFFFFFFF0];
	_ =	sdelay $0x1  }
0x83: {  	v35 =	vmul.f32 v27, v16  }
0x84: {  	v29 =	vmul.f32 v27, v13;
	v30 =	vmul.f32 v28, v11  }
.Ltmp1:
0x85: {  	v32 =	vmul.f32 v27, v15;
	v31 =	vmul.f32 v28, v12;
	(pc) =	sbr.rel @p0 .LBB2_5-.Ltmp1, $4  }
0x86: {  	v37 =	vmul.f32 v27, v7;
	v36 =	vmul.f32 v28, v5;
	v25 =	vadd.f32 v33, v20  }
0x87: {  	v38 =	vmul.f32 v28, v6;
	v30 =	vadd.f32 v32, v30;
	v27 =	vadd.f32 v33, v10  }
0x88: {  	v34 =	vmul.f32 v26, v19;
	v28 =	vadd.f32 v33, v18;
	v32 =	vadd.f32 v37, v36  }
0x89: {  	v33 =	vadd.f32 v33, v9;
	v35 =	vadd.f32 v35, v38;
	v36 =	vmul.f32 v26, v17  }
0x8a: {  	v29 =	vadd.f32 v29, v31;
	v31 =	vmul.f32 v26, v14;
	v26 =	vmul.f32 v26, v8  }
0x8b: {  	v30 =	vadd.f32 v34, v30;
	v60 =	vadd.f32 v36, v35  }
0x8c: {  	v29 =	vadd.f32 v31, v29;
	v26 =	vadd.f32 v26, v32  }
0x8d: {  	v30 =	vadd.f32 v30, v33;
	v31 =	vld [tilespmem:s20+$0xFFFFFFF0];
	v27 =	vadd.f32 v60, v27  }
0x8e: {  	v28 =	vadd.f32 v29, v28;
	v25 =	vadd.f32 v26, v25;
	_ =	sdelay $0x1  }
0x8f: {  	v26 =	vmin.f32 v30, v27;
	v29 =	vmin.f32 v28, v25  }
0x90: {  	v26 =	vmin.f32 v26, v29  }
0x91: {  	v26 =	vmin.f32 v31, v26  }
0x92: {  	[tilespmem:s20+$0xFFFFFFF0] =	vst v26  }
0x93: {  	v26 =	vld [tilespmem:s23+$0x10]  }
0x94: {  	v29 =	vld [tilespmem:s23+$0x1010];
	_ =	sdelay $0x1  }
0x95: {  	v31 =	vld [tilespmem:s23+$0x2010]  }
0x96: {  	v61 =	vld [tilespmem:s24+$0x0]  }
0x97: {  	v11 =	vmul.f32 v26, v11;
	v12 =	vmul.f32 v26, v12  }
0x98: {  	v15 =	vmul.f32 v29, v15;
	v6 =	vmul.f32 v26, v6  }
0x99: {  	v16 =	vmul.f32 v29, v16;
	v13 =	vmul.f32 v29, v13  }
0x9a: {  	v5 =	vmul.f32 v26, v5;
	v7 =	vmul.f32 v29, v7  }
0x9b: {  	v10 =	vadd.f32 v61, v10;
	v11 =	vadd.f32 v15, v11;
	v15 =	vmul.f32 v31, v19  }
0x9c: {  	v6 =	vadd.f32 v16, v6;
	v16 =	vmul.f32 v31, v17;
	v12 =	vadd.f32 v13, v12  }
0x9d: {  	v13 =	vmul.f32 v31, v14;
	v14 =	vadd.f32 v61, v20;
	v5 =	vadd.f32 v7, v5  }
0x9e: {  	v7 =	vmul.f32 v31, v8;
	v8 =	vadd.f32 v61, v9;
	v11 =	vadd.f32 v15, v11  }
0x9f: {  	v15 =	vadd.f32 v61, v18;
	v9 =	vadd.f32 v13, v12  }
0xa0: {  	v6 =	vadd.f32 v16, v6;
	v5 =	vadd.f32 v7, v5  }
0xa1: {  	v7 =	vadd.f32 v11, v8;
	v8 =	vadd.f32 v9, v15;
	v9 =	vld [tilespmem:s20+$0x0]  }
0xa2: {  	v6 =	vadd.f32 v6, v10;
	v5 =	vadd.f32 v5, v14;
	_ =	sdelay $0x1  }
0xa3: {  	v10 =	vmin.f32 v7, v6;
	v11 =	vmin.f32 v8, v5  }
0xa4: {  	v10 =	vmin.f32 v10, v11  }
0xa5: {  	s21 =	sshll.u32 s19, $0x8;
	v11 =	vmin.f32 v24, v30;
	v9 =	vmin.f32 v9, v10  }
0xa6: {  	v7 =	vmin.f32 v11, v7;
	v10 =	vmin.f32 v22, v27;
	[tilespmem:s20+$0x0] =	vst v9;
	s20 =	sand.u32 $0x3FFFFF00, s21  }
0xa7: {  	v9 =	vmin.f32 v23, v28;
	v6 =	vmin.f32 v10, v6;
	[tilespmem:s20+$0x5180] =	vst v7  }
0xa8: {  	v19 =	vbroadcast v1, $0x4;
	v10 =	vmin.f32 v21, v25;
	v8 =	vmin.f32 v9, v8;
	[tilespmem:s20+$0x5190] =	vst v6  }
0xa9: {  	s31 =	simm.s32 $0x0;
	v17 =	vbroadcast v1, $0x5;
	v20 =	vbroadcast v3, $0x7;
	v5 =	vmin.f32 v10, v5;
	[tilespmem:s20+$0x51A0] =	vst v8  }
0xaa: {  	v12 =	vbroadcast v4, $0x6;
	v16 =	vbroadcast v2, $0x5;
	s21 =	sand.u32 $0xFE0, s31;
	[tilespmem:s20+$0x51B0] =	vst v5  }
0xab: {  	s22 =	simm.s32 $0x180;
	v13 =	vbroadcast v1, $0x6;
	v18 =	vbroadcast v3, $0x6;
	v21 =	vld [tilespmem:s21+$0x1180]  }
0xac: {  	v15 =	vbroadcast v2, $0x4;
	v14 =	vbroadcast v2, $0x6;
	v23 =	vld [tilespmem:s22+$0x0]  }
0xad: {  	s23 =	simm.s32 $0x3190;
	v11 =	vbroadcast v3, $0x5;
	v7 =	vbroadcast v4, $0x4  }
0xae: {  	v6 =	vbroadcast v4, $0x5;
	v9 =	vbroadcast v1, $0x7;
	v24 =	vld [tilespmem:s23+$0xFFFFFFF0]  }
0xaf: {  	v10 =	vbroadcast v3, $0x4;
	v5 =	vbroadcast v4, $0x7  }
0xb0: {  	v8 =	vbroadcast v2, $0x7;
	v26 =	vld [tilespmem:s21+$0x2180];
	v62 =	vmul.f32 v21, v16  }
0xb1: {  	v27 =	vmul.f32 v23, v7;
	v29 =	vmul.f32 v21, v14  }
0xb2: {  	v22 =	vimm.f32 $3.000000010e+38;
	v28 =	vmul.f32 v21, v15;
	v31 =	vmul.f32 v23, v12  }
0xb3: {  	v25 =	vadd.f32 v24, v20;
	v63 =	vmul.f32 v23, v5;
	v21 =	vmul.f32 v21, v8  }
0xb4: {  	v23 =	vmul.f32 v23, v6;
	v33 =	vadd.f32 v24, v10;
	v30 =	vadd.f32 v28, v27  }
0xb5: {  	v34 =	vmul.f32 v26, v19;
	v27 =	vadd.f32 v24, v11;
	v28 =	vadd.f32 v24, v18  }
0xb6: {  	s26 =	simm.s32 $0x4190;
	s28 =	simm.s32 $0x20;
	v36 =	vmul.f32 v26, v17;
	v32 =	vadd.f32 v21, v63;
	v35 =	vadd.f32 v62, v23  }
0xb7: {  	s25 =	simm.s32 $0x3190;
	s24 =	simm.s32 $0x180;
	s21 =	simm.s32 $0x4190;
	v24 =	vimm.f32 $3.000000010e+38;
	v23 =	vimm.f32 $3.000000010e+38;
	v21 =	vimm.f32 $3.000000010e+38  }
.LBB2_7:
0xb8: {  	v29 =	vadd.f32 v29, v31;
	v31 =	vmul.f32 v26, v13;
	v26 =	vmul.f32 v26, v9;
	s22 =	sadd.s32 $0x20, s22;
	s23 =	sadd.s32 $0x20, s23;
	s26 =	sadd.s32 $0x20, s26  }
0xb9: {  	p0 =	sne.s32 s28, $0xFE0;
	v30 =	vadd.f32 v34, v30;
	s29 =	smov.u32 s28;
	s28 =	sadd.s32 $0x20, s28;
	v34 =	vadd.f32 v36, v35  }
0xba: {  	v29 =	vadd.f32 v31, v29;
	v26 =	vadd.f32 v26, v32  }
0xbb: {  	v30 =	vadd.f32 v30, v33;
	v27 =	vadd.f32 v34, v27;
	v31 =	vld [tilespmem:s21+$0xFFFFFFF0]  }
0xbc: {  	v28 =	vadd.f32 v29, v28;
	v25 =	vadd.f32 v26, v25  }
0xbd: {  	v26 =	vmin.f32 v30, v27  }
0xbe: {  	v29 =	vmin.f32 v28, v25  }
0xbf: {  	v26 =	vmin.f32 v26, v29  }
0xc0: {  	v26 =	vmin.f32 v31, v26  }
0xc1: {  	[tilespmem:s21+$0xFFFFFFF0] =	vst v26  }
0xc2: {  	s29 =	sand.u32 $0xFE0, s29;
	v26 =	vld [tilespmem:s24+$0x10]  }
0xc3: {  	v29 =	vld [tilespmem:s24+$0x1010];
	_ =	sdelay $0x1  }
0xc4: {  	v31 =	vld [tilespmem:s24+$0x2010];
	s24 =	smov.u32 s22;
	_ =	sdelay $0x1  }
0xc5: {  	v32 =	vld [tilespmem:s25+$0x0];
	v33 =	vmul.f32 v26, v7;
	v34 =	vmul.f32 v26, v12;
	s25 =	smov.u32 s23  }
0xc6: {  	v36 =	vmul.f32 v26, v5;
	v35 =	vmul.f32 v29, v15  }
0xc7: {  	v26 =	vmul.f32 v26, v6;
	v37 =	vmul.f32 v29, v16  }
0xc8: {  	v38 =	vmul.f32 v29, v14;
	v33 =	vadd.f32 v35, v33;
	v35 =	vmul.f32 v31, v19  }
0xc9: {  	v26 =	vadd.f32 v37, v26;
	v37 =	vmul.f32 v31, v17  }
0xca: {  	v29 =	vmul.f32 v29, v8;
	v34 =	vadd.f32 v38, v34;
	v33 =	vadd.f32 v35, v33  }
0xcb: {  	v26 =	vadd.f32 v37, v26;
	v35 =	vmul.f32 v31, v13;
	v37 =	vadd.f32 v32, v20  }
0xcc: {  	v29 =	vadd.f32 v29, v36;
	v38 =	vadd.f32 v32, v18;
	v31 =	vmul.f32 v31, v9  }
0xcd: {  	v36 =	vadd.f32 v32, v10;
	v34 =	vadd.f32 v35, v34  }
0xce: {  	v22 =	vmin.f32 v22, v27;
	v27 =	vadd.f32 v32, v11;
	v29 =	vadd.f32 v31, v29  }
0xcf: {  	v24 =	vmin.f32 v24, v30;
	v30 =	vadd.f32 v33, v36;
	v31 =	vadd.f32 v34, v38;
	v32 =	vld [tilespmem:s21+$0x0]  }
0xd0: {  	v23 =	vmin.f32 v23, v28;
	v26 =	vadd.f32 v26, v27;
	v27 =	vadd.f32 v29, v37  }
0xd1: {  	v21 =	vmin.f32 v21, v25;
	v24 =	vmin.f32 v24, v30;
	v23 =	vmin.f32 v23, v31  }
0xd2: {  	v25 =	vmin.f32 v30, v26;
	v21 =	vmin.f32 v21, v27;
	v27 =	vmin.f32 v31, v27  }
0xd3: {  	v22 =	vmin.f32 v22, v26;
	v25 =	vmin.f32 v25, v27  }
0xd4: {  	v25 =	vmin.f32 v32, v25  }
0xd5: {  	[tilespmem:s21+$0x0] =	vst v25;
	s21 =	smov.u32 s26  }
0xd6: {  	v27 =	vld [tilespmem:s29+$0x1180]  }
0xd7: {  	v28 =	vld [tilespmem:s22+$0x0]  }
0xd8: {  	v26 =	vld [tilespmem:s29+$0x2180]  }
0xd9: {  	v33 =	vld [tilespmem:s23+$0xFFFFFFF0];
	_ =	sdelay $0x1  }
0xda: {  	v35 =	vmul.f32 v27, v16  }
0xdb: {  	v29 =	vmul.f32 v27, v14;
	v30 =	vmul.f32 v28, v7  }
.Ltmp2:
0xdc: {  	v32 =	vmul.f32 v27, v15;
	v31 =	vmul.f32 v28, v12;
	(pc) =	sbr.rel @p0 .LBB2_7-.Ltmp2, $4  }
0xdd: {  	v37 =	vmul.f32 v27, v8;
	v36 =	vmul.f32 v28, v5;
	v25 =	vadd.f32 v33, v20  }
0xde: {  	v38 =	vmul.f32 v28, v6;
	v30 =	vadd.f32 v32, v30;
	v27 =	vadd.f32 v33, v11  }
0xdf: {  	v34 =	vmul.f32 v26, v19;
	v28 =	vadd.f32 v33, v18;
	v32 =	vadd.f32 v37, v36  }
0xe0: {  	v33 =	vadd.f32 v33, v10;
	v35 =	vadd.f32 v35, v38;
	v36 =	vmul.f32 v26, v17  }
0xe1: {  	v29 =	vadd.f32 v29, v31;
	v31 =	vmul.f32 v26, v13;
	v26 =	vmul.f32 v26, v9  }
0xe2: {  	v30 =	vadd.f32 v34, v30;
	v60 =	vadd.f32 v36, v35  }
0xe3: {  	v29 =	vadd.f32 v31, v29;
	v26 =	vadd.f32 v26, v32  }
0xe4: {  	v30 =	vadd.f32 v30, v33;
	v31 =	vld [tilespmem:s21+$0xFFFFFFF0];
	v27 =	vadd.f32 v60, v27  }
0xe5: {  	v28 =	vadd.f32 v29, v28;
	v25 =	vadd.f32 v26, v25;
	_ =	sdelay $0x1  }
0xe6: {  	v26 =	vmin.f32 v30, v27;
	v29 =	vmin.f32 v28, v25  }
0xe7: {  	v26 =	vmin.f32 v26, v29  }
0xe8: {  	v26 =	vmin.f32 v31, v26  }
0xe9: {  	[tilespmem:s21+$0xFFFFFFF0] =	vst v26  }
0xea: {  	v26 =	vld [tilespmem:s24+$0x10]  }
0xeb: {  	v29 =	vld [tilespmem:s24+$0x1010];
	_ =	sdelay $0x1  }
0xec: {  	v31 =	vld [tilespmem:s24+$0x2010]  }
0xed: {  	v61 =	vld [tilespmem:s25+$0x0]  }
0xee: {  	v7 =	vmul.f32 v26, v7;
	v12 =	vmul.f32 v26, v12  }
0xef: {  	v15 =	vmul.f32 v29, v15;
	v6 =	vmul.f32 v26, v6  }
0xf0: {  	v16 =	vmul.f32 v29, v16;
	v14 =	vmul.f32 v29, v14  }
0xf1: {  	v5 =	vmul.f32 v26, v5;
	v8 =	vmul.f32 v29, v8  }
0xf2: {  	v13 =	vmul.f32 v31, v13;
	v11 =	vadd.f32 v61, v11;
	v7 =	vadd.f32 v15, v7  }
0xf3: {  	v15 =	vmul.f32 v31, v19;
	v6 =	vadd.f32 v16, v6;
	v12 =	vadd.f32 v14, v12  }
0xf4: {  	v16 =	vmul.f32 v31, v17;
	v14 =	vadd.f32 v61, v20;
	v5 =	vadd.f32 v8, v5  }
0xf5: {  	v8 =	vmul.f32 v31, v9;
	v9 =	vadd.f32 v61, v10;
	v7 =	vadd.f32 v15, v7  }
0xf6: {  	v15 =	vadd.f32 v61, v18;
	v10 =	vadd.f32 v13, v12  }
0xf7: {  	v6 =	vadd.f32 v16, v6;
	v5 =	vadd.f32 v8, v5  }
0xf8: {  	v7 =	vadd.f32 v7, v9;
	v8 =	vadd.f32 v10, v15;
	v9 =	vld [tilespmem:s21+$0x0]  }
0xf9: {  	v6 =	vadd.f32 v6, v11;
	v5 =	vadd.f32 v5, v14;
	_ =	sdelay $0x1  }
0xfa: {  	v10 =	vmin.f32 v7, v6;
	v11 =	vmin.f32 v8, v5  }
0xfb: {  	v10 =	vmin.f32 v10, v11  }
0xfc: {  	v11 =	vmin.f32 v24, v30;
	v9 =	vmin.f32 v9, v10  }
0xfd: {  	v7 =	vmin.f32 v11, v7;
	v10 =	vmin.f32 v22, v27;
	[tilespmem:s21+$0x0] =	vst v9  }
0xfe: {  	v9 =	vmin.f32 v23, v28;
	v6 =	vmin.f32 v10, v6;
	[tilespmem:s20+$0x51C0] =	vst v7  }
0xff: {  	v19 =	vbroadcast v1, $0x8;
	v10 =	vmin.f32 v21, v25;
	v8 =	vmin.f32 v9, v8;
	[tilespmem:s20+$0x51D0] =	vst v6  }
0x100: {  	s31 =	simm.s32 $0x0;
	v17 =	vbroadcast v1, $0x9;
	v20 =	vbroadcast v3, $0xB;
	v5 =	vmin.f32 v10, v5;
	[tilespmem:s20+$0x51E0] =	vst v8  }
0x101: {  	v12 =	vbroadcast v4, $0xA;
	v16 =	vbroadcast v2, $0x9;
	s21 =	sand.u32 $0xFE0, s31;
	[tilespmem:s20+$0x51F0] =	vst v5  }
0x102: {  	s22 =	simm.s32 $0x180;
	v13 =	vbroadcast v1, $0xA;
	v18 =	vbroadcast v3, $0xA;
	v21 =	vld [tilespmem:s21+$0x1180]  }
0x103: {  	v15 =	vbroadcast v2, $0x8;
	v14 =	vbroadcast v2, $0xA;
	v23 =	vld [tilespmem:s22+$0x0]  }
0x104: {  	s23 =	simm.s32 $0x3190;
	v11 =	vbroadcast v3, $0x9;
	v7 =	vbroadcast v4, $0x8  }
0x105: {  	v6 =	vbroadcast v4, $0x9;
	v9 =	vbroadcast v1, $0xB;
	v24 =	vld [tilespmem:s23+$0xFFFFFFF0]  }
0x106: {  	v10 =	vbroadcast v3, $0x8;
	v5 =	vbroadcast v4, $0xB  }
0x107: {  	v8 =	vbroadcast v2, $0xB;
	v26 =	vld [tilespmem:s21+$0x2180];
	v62 =	vmul.f32 v21, v16  }
0x108: {  	v27 =	vmul.f32 v23, v7;
	v29 =	vmul.f32 v21, v14  }
0x109: {  	v22 =	vimm.f32 $3.000000010e+38;
	v28 =	vmul.f32 v21, v15;
	v31 =	vmul.f32 v23, v12  }
0x10a: {  	v25 =	vadd.f32 v24, v20;
	v63 =	vmul.f32 v23, v5;
	v21 =	vmul.f32 v21, v8  }
0x10b: {  	v23 =	vmul.f32 v23, v6;
	v33 =	vadd.f32 v24, v10;
	v30 =	vadd.f32 v28, v27  }
0x10c: {  	v34 =	vmul.f32 v26, v19;
	v27 =	vadd.f32 v24, v11;
	v28 =	vadd.f32 v24, v18  }
0x10d: {  	s26 =	simm.s32 $0x4190;
	s28 =	simm.s32 $0x20;
	v36 =	vmul.f32 v26, v17;
	v32 =	vadd.f32 v21, v63;
	v35 =	vadd.f32 v62, v23  }
0x10e: {  	s24 =	simm.s32 $0x180;
	s25 =	simm.s32 $0x3190;
	s21 =	simm.s32 $0x4190;
	v24 =	vimm.f32 $3.000000010e+38;
	v23 =	vimm.f32 $3.000000010e+38;
	v21 =	vimm.f32 $3.000000010e+38  }
.LBB2_9:
0x10f: {  	v29 =	vadd.f32 v29, v31;
	v31 =	vmul.f32 v26, v13;
	v26 =	vmul.f32 v26, v9;
	s22 =	sadd.s32 $0x20, s22;
	s23 =	sadd.s32 $0x20, s23;
	s26 =	sadd.s32 $0x20, s26  }
0x110: {  	p0 =	sne.s32 s28, $0xFE0;
	v30 =	vadd.f32 v34, v30;
	s29 =	smov.u32 s28;
	s28 =	sadd.s32 $0x20, s28;
	v34 =	vadd.f32 v36, v35  }
0x111: {  	v29 =	vadd.f32 v31, v29;
	v26 =	vadd.f32 v26, v32  }
0x112: {  	v30 =	vadd.f32 v30, v33;
	v27 =	vadd.f32 v34, v27;
	v31 =	vld [tilespmem:s21+$0xFFFFFFF0]  }
0x113: {  	v28 =	vadd.f32 v29, v28;
	v25 =	vadd.f32 v26, v25  }
0x114: {  	v26 =	vmin.f32 v30, v27  }
0x115: {  	v29 =	vmin.f32 v28, v25  }
0x116: {  	v26 =	vmin.f32 v26, v29  }
0x117: {  	v26 =	vmin.f32 v31, v26  }
0x118: {  	[tilespmem:s21+$0xFFFFFFF0] =	vst v26  }
0x119: {  	s29 =	sand.u32 $0xFE0, s29;
	v26 =	vld [tilespmem:s24+$0x10]  }
0x11a: {  	v29 =	vld [tilespmem:s24+$0x1010];
	_ =	sdelay $0x1  }
0x11b: {  	v31 =	vld [tilespmem:s24+$0x2010];
	s24 =	smov.u32 s22;
	_ =	sdelay $0x1  }
0x11c: {  	v32 =	vld [tilespmem:s25+$0x0];
	v33 =	vmul.f32 v26, v7;
	v34 =	vmul.f32 v26, v12;
	s25 =	smov.u32 s23  }
0x11d: {  	v36 =	vmul.f32 v26, v5;
	v35 =	vmul.f32 v29, v15  }
0x11e: {  	v26 =	vmul.f32 v26, v6;
	v37 =	vmul.f32 v29, v16  }
0x11f: {  	v38 =	vmul.f32 v29, v14;
	v33 =	vadd.f32 v35, v33;
	v35 =	vmul.f32 v31, v19  }
0x120: {  	v26 =	vadd.f32 v37, v26;
	v37 =	vmul.f32 v31, v17  }
0x121: {  	v29 =	vmul.f32 v29, v8;
	v34 =	vadd.f32 v38, v34;
	v33 =	vadd.f32 v35, v33  }
0x122: {  	v26 =	vadd.f32 v37, v26;
	v35 =	vmul.f32 v31, v13;
	v37 =	vadd.f32 v32, v20  }
0x123: {  	v29 =	vadd.f32 v29, v36;
	v38 =	vadd.f32 v32, v18;
	v31 =	vmul.f32 v31, v9  }
0x124: {  	v36 =	vadd.f32 v32, v10;
	v34 =	vadd.f32 v35, v34  }
0x125: {  	v22 =	vmin.f32 v22, v27;
	v27 =	vadd.f32 v32, v11;
	v29 =	vadd.f32 v31, v29  }
0x126: {  	v24 =	vmin.f32 v24, v30;
	v30 =	vadd.f32 v33, v36;
	v31 =	vadd.f32 v34, v38;
	v32 =	vld [tilespmem:s21+$0x0]  }
0x127: {  	v23 =	vmin.f32 v23, v28;
	v26 =	vadd.f32 v26, v27;
	v27 =	vadd.f32 v29, v37  }
0x128: {  	v21 =	vmin.f32 v21, v25;
	v24 =	vmin.f32 v24, v30;
	v23 =	vmin.f32 v23, v31  }
0x129: {  	v25 =	vmin.f32 v30, v26;
	v21 =	vmin.f32 v21, v27;
	v27 =	vmin.f32 v31, v27  }
0x12a: {  	v22 =	vmin.f32 v22, v26;
	v25 =	vmin.f32 v25, v27  }
0x12b: {  	v25 =	vmin.f32 v32, v25  }
0x12c: {  	[tilespmem:s21+$0x0] =	vst v25;
	s21 =	smov.u32 s26  }
0x12d: {  	v27 =	vld [tilespmem:s29+$0x1180]  }
0x12e: {  	v28 =	vld [tilespmem:s22+$0x0]  }
0x12f: {  	v26 =	vld [tilespmem:s29+$0x2180]  }
0x130: {  	v33 =	vld [tilespmem:s23+$0xFFFFFFF0];
	_ =	sdelay $0x1  }
0x131: {  	v35 =	vmul.f32 v27, v16  }
0x132: {  	v29 =	vmul.f32 v27, v14;
	v30 =	vmul.f32 v28, v7  }
.Ltmp3:
0x133: {  	v32 =	vmul.f32 v27, v15;
	v31 =	vmul.f32 v28, v12;
	(pc) =	sbr.rel @p0 .LBB2_9-.Ltmp3, $4  }
0x134: {  	v37 =	vmul.f32 v27, v8;
	v36 =	vmul.f32 v28, v5;
	v25 =	vadd.f32 v33, v20  }
0x135: {  	v38 =	vmul.f32 v28, v6;
	v30 =	vadd.f32 v32, v30;
	v27 =	vadd.f32 v33, v11  }
0x136: {  	v34 =	vmul.f32 v26, v19;
	v28 =	vadd.f32 v33, v18;
	v32 =	vadd.f32 v37, v36  }
0x137: {  	v33 =	vadd.f32 v33, v10;
	v35 =	vadd.f32 v35, v38;
	v36 =	vmul.f32 v26, v17  }
0x138: {  	v29 =	vadd.f32 v29, v31;
	v31 =	vmul.f32 v26, v13;
	v26 =	vmul.f32 v26, v9  }
0x139: {  	v30 =	vadd.f32 v34, v30;
	v62 =	vadd.f32 v36, v35  }
0x13a: {  	v29 =	vadd.f32 v31, v29;
	v26 =	vadd.f32 v26, v32  }
0x13b: {  	v30 =	vadd.f32 v30, v33;
	v31 =	vld [tilespmem:s21+$0xFFFFFFF0];
	v27 =	vadd.f32 v62, v27  }
0x13c: {  	v28 =	vadd.f32 v29, v28;
	v25 =	vadd.f32 v26, v25;
	_ =	sdelay $0x1  }
0x13d: {  	v26 =	vmin.f32 v30, v27;
	v29 =	vmin.f32 v28, v25  }
0x13e: {  	v26 =	vmin.f32 v26, v29  }
0x13f: {  	v26 =	vmin.f32 v31, v26  }
0x140: {  	[tilespmem:s21+$0xFFFFFFF0] =	vst v26  }
0x141: {  	v26 =	vld [tilespmem:s24+$0x10]  }
0x142: {  	v29 =	vld [tilespmem:s24+$0x1010];
	_ =	sdelay $0x1  }
0x143: {  	v31 =	vld [tilespmem:s24+$0x2010]  }
0x144: {  	v63 =	vld [tilespmem:s25+$0x0]  }
0x145: {  	v7 =	vmul.f32 v26, v7;
	v12 =	vmul.f32 v26, v12  }
0x146: {  	v15 =	vmul.f32 v29, v15;
	v6 =	vmul.f32 v26, v6  }
0x147: {  	v16 =	vmul.f32 v29, v16;
	v14 =	vmul.f32 v29, v14  }
0x148: {  	v5 =	vmul.f32 v26, v5;
	v8 =	vmul.f32 v29, v8  }
0x149: {  	v13 =	vmul.f32 v31, v13;
	v11 =	vadd.f32 v63, v11;
	v7 =	vadd.f32 v15, v7  }
0x14a: {  	v15 =	vmul.f32 v31, v19;
	v6 =	vadd.f32 v16, v6;
	v12 =	vadd.f32 v14, v12  }
0x14b: {  	v16 =	vmul.f32 v31, v17;
	v14 =	vadd.f32 v63, v20;
	v5 =	vadd.f32 v8, v5  }
0x14c: {  	v8 =	vmul.f32 v31, v9;
	v9 =	vadd.f32 v63, v10;
	v7 =	vadd.f32 v15, v7  }
0x14d: {  	v15 =	vadd.f32 v63, v18;
	v10 =	vadd.f32 v13, v12  }
0x14e: {  	v6 =	vadd.f32 v16, v6;
	v5 =	vadd.f32 v8, v5  }
0x14f: {  	v7 =	vadd.f32 v7, v9;
	v8 =	vadd.f32 v10, v15;
	v9 =	vld [tilespmem:s21+$0x0]  }
0x150: {  	v6 =	vadd.f32 v6, v11;
	v5 =	vadd.f32 v5, v14;
	_ =	sdelay $0x1  }
0x151: {  	v10 =	vmin.f32 v7, v6;
	v11 =	vmin.f32 v8, v5  }
0x152: {  	v10 =	vmin.f32 v10, v11  }
0x153: {  	v11 =	vmin.f32 v24, v30;
	v9 =	vmin.f32 v9, v10  }
0x154: {  	v7 =	vmin.f32 v11, v7;
	v10 =	vmin.f32 v22, v27;
	[tilespmem:s21+$0x0] =	vst v9  }
0x155: {  	v9 =	vmin.f32 v23, v28;
	v6 =	vmin.f32 v10, v6;
	[tilespmem:s20+$0x5200] =	vst v7  }
0x156: {  	v12 =	vbroadcast v2, $0xC;
	v7 =	vmin.f32 v21, v25;
	v8 =	vmin.f32 v9, v8;
	[tilespmem:s20+$0x5210] =	vst v6  }
0x157: {  	s31 =	simm.s32 $0x0;
	v13 =	vbroadcast v2, $0xD;
	v16 =	vbroadcast v1, $0xC;
	v7 =	vmin.f32 v7, v5;
	[tilespmem:s20+$0x5220] =	vst v8  }
0x158: {  	v14 =	vbroadcast v1, $0xD;
	v15 =	vbroadcast v3, $0xE;
	s21 =	sand.u32 $0xFE0, s31;
	[tilespmem:s20+$0x5230] =	vst v7  }
0x159: {  	s22 =	simm.s32 $0x180;
	v11 =	vbroadcast v2, $0xE;
	v2 =	vbroadcast v2, $0xF;
	v17 =	vld [tilespmem:s21+$0x1180]  }
0x15a: {  	v10 =	vbroadcast v1, $0xE;
	v1 =	vbroadcast v1, $0xF;
	v19 =	vld [tilespmem:s22+$0x0]  }
0x15b: {  	s23 =	simm.s32 $0x3190;
	v6 =	vbroadcast v4, $0xC;
	v9 =	vbroadcast v4, $0xE  }
0x15c: {  	v5 =	vbroadcast v4, $0xD;
	v4 =	vbroadcast v4, $0xF;
	v20 =	vld [tilespmem:s23+$0xFFFFFFF0]  }
0x15d: {  	v8 =	vbroadcast v3, $0xD;
	v7 =	vbroadcast v3, $0xC  }
0x15e: {  	v3 =	vbroadcast v3, $0xF;
	v22 =	vld [tilespmem:s21+$0x2180];
	v31 =	vmul.f32 v17, v13  }
0x15f: {  	v23 =	vmul.f32 v19, v6;
	v25 =	vmul.f32 v17, v11  }
0x160: {  	v18 =	vimm.f32 $3.000000010e+38;
	v24 =	vmul.f32 v17, v12;
	v27 =	vmul.f32 v19, v9  }
0x161: {  	v21 =	vadd.f32 v20, v3;
	v28 =	vmul.f32 v19, v4;
	v17 =	vmul.f32 v17, v2  }
0x162: {  	v19 =	vmul.f32 v19, v5;
	v29 =	vadd.f32 v20, v7;
	v26 =	vadd.f32 v24, v23  }
0x163: {  	v30 =	vmul.f32 v22, v16;
	v23 =	vadd.f32 v20, v8;
	v24 =	vadd.f32 v20, v15  }
0x164: {  	s26 =	simm.s32 $0x4190;
	s28 =	simm.s32 $0x20;
	v32 =	vmul.f32 v22, v14;
	v28 =	vadd.f32 v17, v28;
	v31 =	vadd.f32 v31, v19  }
0x165: {  	s24 =	simm.s32 $0x180;
	s25 =	simm.s32 $0x3190;
	s21 =	simm.s32 $0x4190;
	v20 =	vimm.f32 $3.000000010e+38;
	v19 =	vimm.f32 $3.000000010e+38;
	v17 =	vimm.f32 $3.000000010e+38  }
.LBB2_11:
0x166: {  	v25 =	vadd.f32 v25, v27;
	v27 =	vmul.f32 v22, v10;
	v22 =	vmul.f32 v22, v1;
	s22 =	sadd.s32 $0x20, s22;
	s23 =	sadd.s32 $0x20, s23;
	s26 =	sadd.s32 $0x20, s26  }
0x167: {  	p0 =	sne.s32 s28, $0xFE0;
	v26 =	vadd.f32 v30, v26;
	s29 =	smov.u32 s28;
	s28 =	sadd.s32 $0x20, s28;
	v30 =	vadd.f32 v32, v31  }
0x168: {  	v25 =	vadd.f32 v27, v25;
	v22 =	vadd.f32 v22, v28  }
0x169: {  	v26 =	vadd.f32 v26, v29;
	v23 =	vadd.f32 v30, v23;
	v27 =	vld [tilespmem:s21+$0xFFFFFFF0]  }
0x16a: {  	v24 =	vadd.f32 v25, v24;
	v21 =	vadd.f32 v22, v21  }
0x16b: {  	v22 =	vmin.f32 v26, v23  }
0x16c: {  	v25 =	vmin.f32 v24, v21  }
0x16d: {  	v22 =	vmin.f32 v22, v25  }
0x16e: {  	v22 =	vmin.f32 v27, v22  }
0x16f: {  	[tilespmem:s21+$0xFFFFFFF0] =	vst v22  }
0x170: {  	s29 =	sand.u32 $0xFE0, s29;
	v22 =	vld [tilespmem:s24+$0x10]  }
0x171: {  	v25 =	vld [tilespmem:s24+$0x1010];
	_ =	sdelay $0x1  }
0x172: {  	v27 =	vld [tilespmem:s24+$0x2010];
	s24 =	smov.u32 s22;
	_ =	sdelay $0x1  }
0x173: {  	v28 =	vld [tilespmem:s25+$0x0];
	v29 =	vmul.f32 v22, v6;
	v30 =	vmul.f32 v22, v9;
	s25 =	smov.u32 s23  }
0x174: {  	v32 =	vmul.f32 v22, v4;
	v31 =	vmul.f32 v25, v12  }
0x175: {  	v22 =	vmul.f32 v22, v5;
	v33 =	vmul.f32 v25, v13  }
0x176: {  	v34 =	vmul.f32 v25, v11;
	v29 =	vadd.f32 v31, v29;
	v31 =	vmul.f32 v27, v16  }
0x177: {  	v22 =	vadd.f32 v33, v22;
	v33 =	vmul.f32 v27, v14  }
0x178: {  	v25 =	vmul.f32 v25, v2;
	v30 =	vadd.f32 v34, v30;
	v29 =	vadd.f32 v31, v29  }
0x179: {  	v22 =	vadd.f32 v33, v22;
	v31 =	vmul.f32 v27, v10;
	v33 =	vadd.f32 v28, v3  }
0x17a: {  	v25 =	vadd.f32 v25, v32;
	v34 =	vadd.f32 v28, v15;
	v27 =	vmul.f32 v27, v1  }
0x17b: {  	v32 =	vadd.f32 v28, v7;
	v30 =	vadd.f32 v31, v30  }
0x17c: {  	v18 =	vmin.f32 v18, v23;
	v23 =	vadd.f32 v28, v8;
	v25 =	vadd.f32 v27, v25  }
0x17d: {  	v20 =	vmin.f32 v20, v26;
	v26 =	vadd.f32 v29, v32;
	v27 =	vadd.f32 v30, v34;
	v28 =	vld [tilespmem:s21+$0x0]  }
0x17e: {  	v19 =	vmin.f32 v19, v24;
	v22 =	vadd.f32 v22, v23;
	v23 =	vadd.f32 v25, v33  }
0x17f: {  	v17 =	vmin.f32 v17, v21;
	v20 =	vmin.f32 v20, v26;
	v19 =	vmin.f32 v19, v27  }
0x180: {  	v21 =	vmin.f32 v26, v22;
	v17 =	vmin.f32 v17, v23;
	v23 =	vmin.f32 v27, v23  }
0x181: {  	v18 =	vmin.f32 v18, v22;
	v21 =	vmin.f32 v21, v23  }
0x182: {  	v21 =	vmin.f32 v28, v21  }
0x183: {  	[tilespmem:s21+$0x0] =	vst v21;
	s21 =	smov.u32 s26  }
0x184: {  	v23 =	vld [tilespmem:s29+$0x1180]  }
0x185: {  	v24 =	vld [tilespmem:s22+$0x0]  }
0x186: {  	v22 =	vld [tilespmem:s29+$0x2180]  }
0x187: {  	v29 =	vld [tilespmem:s23+$0xFFFFFFF0];
	_ =	sdelay $0x1  }
0x188: {  	v31 =	vmul.f32 v23, v13  }
0x189: {  	v25 =	vmul.f32 v23, v11;
	v26 =	vmul.f32 v24, v6  }
.Ltmp4:
0x18a: {  	v28 =	vmul.f32 v23, v12;
	v27 =	vmul.f32 v24, v9;
	(pc) =	sbr.rel @p0 .LBB2_11-.Ltmp4, $4  }
0x18b: {  	v33 =	vmul.f32 v23, v2;
	v32 =	vmul.f32 v24, v4;
	v21 =	vadd.f32 v29, v3  }
0x18c: {  	v34 =	vmul.f32 v24, v5;
	v26 =	vadd.f32 v28, v26;
	v23 =	vadd.f32 v29, v8  }
0x18d: {  	v30 =	vmul.f32 v22, v16;
	v24 =	vadd.f32 v29, v15;
	v28 =	vadd.f32 v33, v32  }
0x18e: {  	v29 =	vadd.f32 v29, v7;
	v31 =	vadd.f32 v31, v34;
	v32 =	vmul.f32 v22, v14  }
0x18f: {  	v25 =	vadd.f32 v25, v27;
	v46 =	vmul.f32 v22, v10;
	v47 =	vmul.f32 v22, v1  }
0x190: {  	v26 =	vadd.f32 v30, v26;
	v48 =	vadd.f32 v32, v31  }
0x191: {  	v25 =	vadd.f32 v46, v25;
	v22 =	vadd.f32 v47, v28  }
0x192: {  	v49 =	vld [tilespmem:s21+$0xFFFFFFF0];
	v26 =	vadd.f32 v26, v29;
	v23 =	vadd.f32 v48, v23  }
0x193: {  	v24 =	vadd.f32 v25, v24;
	v21 =	vadd.f32 v22, v21;
	_ =	sdelay $0x1  }
0x194: {  	v50 =	vmin.f32 v26, v23;
	v25 =	vmin.f32 v24, v21  }
0x195: {  	v22 =	vmin.f32 v50, v25  }
0x196: {  	v22 =	vmin.f32 v49, v22  }
0x197: {  	[tilespmem:s21+$0xFFFFFFF0] =	vst v22  }
0x198: {  	v22 =	vld [tilespmem:s24+$0x10]  }
0x199: {  	v51 =	vld [tilespmem:s24+$0x1010]  }
0x19a: {  	v52 =	vld [tilespmem:s24+$0x2010];
	_ =	sdelay $0x1  }
0x19b: {  	v53 =	vld [tilespmem:s25+$0x0]  }
0x19c: {  	v6 =	vmul.f32 v22, v6;
	v9 =	vmul.f32 v22, v9  }
0x19d: {  	v12 =	vmul.f32 v51, v12;
	v5 =	vmul.f32 v22, v5  }
0x19e: {  	v13 =	vmul.f32 v51, v13;
	v54 =	vmul.f32 v52, v16  }
0x19f: {  	v11 =	vmul.f32 v51, v11;
	v4 =	vmul.f32 v22, v4  }
0x1a0: {  	v55 =	vmul.f32 v52, v14;
	v3 =	vadd.f32 v53, v3;
	v57 =	vadd.f32 v53, v15  }
0x1a1: {  	v2 =	vmul.f32 v51, v2;
	v58 =	vadd.f32 v53, v7;
	v8 =	vadd.f32 v53, v8  }
0x1a2: {  	v56 =	vmul.f32 v52, v10;
	v6 =	vadd.f32 v12, v6;
	v9 =	vadd.f32 v11, v9  }
0x1a3: {  	v1 =	vmul.f32 v52, v1;
	v5 =	vadd.f32 v13, v5;
	v2 =	vadd.f32 v2, v4  }
0x1a4: {  	v6 =	vadd.f32 v54, v6;
	v59 =	vadd.f32 v56, v9  }
0x1a5: {  	v5 =	vadd.f32 v55, v5;
	v1 =	vadd.f32 v1, v2  }
0x1a6: {  	v61 =	vld [tilespmem:s21+$0x0];
	v2 =	vadd.f32 v6, v58;
	v60 =	vadd.f32 v59, v57  }
0x1a7: {  	v5 =	vadd.f32 v5, v8;
	v1 =	vadd.f32 v1, v3;
	_ =	sdelay $0x1  }
0x1a8: {  	v3 =	vmin.f32 v2, v5;
	v7 =	vmin.f32 v60, v1  }
0x1a9: {  	s19 =	sadd.s32 $0x1, s19;
	v3 =	vmin.f32 v3, v7  }
0x1aa: {  	p0 =	sne.s32 s19, $0x8;
	v62 =	vmin.f32 v20, v26;
	v3 =	vmin.f32 v61, v3  }
.Ltmp5:
0x1ab: {  	v63 =	vmin.f32 v18, v23;
	v2 =	vmin.f32 v62, v2;
	[tilespmem:s21+$0x0] =	vst v3;
	(pc) =	sbr.rel @p0 .LBB2_4-.Ltmp5, $4  }
0x1ac: {  	v5 =	vmin.f32 v63, v5;
	v3 =	vmin.f32 v19, v24;
	[tilespmem:s20+$0x5240] =	vst v2  }
0x1ad: {  	v2 =	vmin.f32 v17, v21;
	v3 =	vmin.f32 v3, v60;
	[tilespmem:s20+$0x5250] =	vst v5  }
0x1ae: {  	v1 =	vmin.f32 v2, v1;
	[tilespmem:s20+$0x5260] =	vst v3  }
0x1af: {  	[tilespmem:s20+$0x5270] =	vst v1  }
0x1b0: {  	[hbm4b:s8+s11] =	stream.strided.scatter [tilespmem:s14], [sflag:$0x1], $0x800, s13, s11, $0x38;
	[tilespmem:$0x5980] =	vst v63  }
0x1b1: {  	s17 =	sadd.s32 $0x1, s17;
	_ =	swait.ge [sflag:s3], $0x800  }
0x1b2: {  	p0 =	sne.s32 s17, s10;
	[sflag:s3] =	ssyncset.done $0x0  }
.Ltmp6:
0x1b3: {  	[sflag:s3] =	ssyncadd.s32 $0xFFFFF800;
	(pc) =	sbr.rel @p0 .LBB2_1-.Ltmp6, $4  }
0x1b4: {  	[hbm4b:s9+s11] =	stream.strided.scatter [tilespmem:s16], [sflag:$0x1], $0x1000, s15, s11, $0x38;
	[tilespmem:$0x5980] =	vst v63  }
0x1b5: {  	_ =	swait.ge [sflag:s3], $0x1000  }
0x1b6: {  	[sflag:s3] =	ssyncset.done $0x0  }
0x1b7: {  	[sflag:s3] =	ssyncadd.s32 $0xFFFFF000  }
0x1b8: {  	_ =	sfence.sel $0x180000  }
0x1b9: {  	[bflag:$0x0] =	sbarrier.arrive $0xFFFF  }
0x1ba: {  	p0 =	sne.s32 s0, $0x0;
	_ =	strace $0x90000047  }
0x1bb: {  	s0 =	sadd.s32 @!p0 $0x100000, s1;
	[bflag:$0x2] =	sbarrier.arrive $0xFFFF  }
0x1bc: {  	[sflag:s0] =	ssyncadd.tile.s32 @!p0 $0x1;
	_ =	shalt  }
.Lfunc_end2:
_tile_overlayer_lowered:
.L_overlay_start_2:
0x1bd: {  	(tag) =	ssettag $0x2  }
0x1be: {  	s0 =	rddreg [dreg:$0x0];
	s2 =	stileid.u32  }
0x1bf: {  	s1 =	rddreg [dreg:$0x1];
	p0 =	sne.s32 s2, $0x0  }
0x1c0: {  	s3 =	rddreg [dreg:$0x2];
	[bflag:$0x3] =	sbarrier.arrive $0xFFFF;
	s2 =	simm.s32 @!p0 $0x1C01  }
0x1c1: {  	[timem:s3], [sflag:s2] =	dma.local @!p0 [hbm:s0], s1  }
0x1c2: {  	s0 =	simm.s32 @!p0 $0x1  }
0x1c3: {  	_ =	swait.ge @!p0 [sflag:s0], s1  }
0x1c4: {  	s1 =	ssub.s32 @!p0 $0x0, s1;
	[sflag:s0] =	ssyncset.done @!p0 $0x0  }
0x1c5: {  	[sflag:s0] =	ssyncadd.s32 @!p0 s1  }
0x1c6: {  	[bflag:$0x3] =	sbarrier.arrive $0xFFFF  }
0x1c7: {  	_ =	shalt  }

</sc_bundles>
